<compile_context>
chip_gen: v7x
topology: tpu7x:2x2x1
jax: 0.10.2.dev20260603
libtpu: 0.0.44.dev20260713+nightly
codegen_flags: <defaults>
</compile_context>

<pallas_src>
import functools

import jax
import jax.numpy as jnp
from jax import lax
from jax.experimental import pallas as pl
from jax.experimental.pallas import tpu as pltpu
from jax.experimental.pallas import tpu_sc as plsc

B = 4
N = 65536
D0 = 128
D1 = 64
PRUNE = 512.0
NW = 8192
LANES = 16
NGROUPS = NW // LANES
NC = 2
NS = 16
NTILES = NC * NS
W_PER_TILE = NW // NTILES
G_PER_TILE = W_PER_TILE // LANES

_U1 = 16
_U2 = 4
G_PER_SUB = NGROUPS // NS


def _sc_is_last_body(widx_hbm, mask_hbm, widx_v, table_v, keeps_loc_v,
                     keeps_v, maskloc_v, keeps_sh):
    wid = lax.axis_index("s") * NC + lax.axis_index("c")
    sid = lax.axis_index("s")
    pltpu.sync_copy(widx_hbm, widx_v)
    lanes = lax.broadcasted_iota(jnp.int32, (LANES,), 0)

    for t in range(G_PER_SUB):
        g = sid * G_PER_SUB + t
        idx = widx_v[pl.ds(g * LANES, LANES)]
        _, keep = plsc.scan_count(idx)
        keeps_loc_v[pl.ds(t * LANES, LANES)] = jnp.where(keep, 1, 0)
    pltpu.sync_copy(
        keeps_loc_v,
        keeps_sh.at[pl.ds(sid * G_PER_SUB * LANES, G_PER_SUB * LANES)])
    plsc.subcore_barrier()
    pltpu.sync_copy(keeps_sh, keeps_v)

    def scatter_group(g, carry):
        for j in range(_U1):
            gg = g * _U1 + j
            idx = widx_v[pl.ds(gg * LANES, LANES)]
            keep = keeps_v[pl.ds(gg * LANES, LANES)] != 0
            plsc.store_scatter(table_v, [idx], gg * LANES + lanes, mask=keep)
        return carry

    lax.fori_loop(0, NGROUPS // _U1, scatter_group, 0)

    def emit_group(j0, carry):
        for j1 in range(_U2):
            j = j0 * _U2 + j1
            g = wid * G_PER_TILE + j
            idx = widx_v[pl.ds(g * LANES, LANES)]
            lastw = plsc.load_gather(table_v, [idx])
            is_last = jnp.where(lastw == g * LANES + lanes, 1.0, 0.0)
            maskloc_v[pl.ds(j * LANES, LANES)] = is_last
        return carry

    lax.fori_loop(0, G_PER_TILE // _U2, emit_group, 0)
    pltpu.sync_copy(maskloc_v, mask_hbm.at[pl.ds(wid * W_PER_TILE, W_PER_TILE)])


@functools.cache
def _sc_is_last():
    mesh = plsc.VectorSubcoreMesh(
        core_axis_name="c", subcore_axis_name="s",
        num_cores=NC, num_subcores=NS)
    return pl.kernel(
        _sc_is_last_body,
        out_type=jax.ShapeDtypeStruct((NW,), jnp.float32),
        mesh=mesh,
        compiler_params=pltpu.CompilerParams(needs_layout_passes=False),
        scratch_types=[
            pltpu.VMEM((NW,), jnp.int32),
            pltpu.VMEM((N,), jnp.int32),
            pltpu.VMEM((G_PER_SUB * LANES,), jnp.int32),
            pltpu.VMEM((NW,), jnp.int32),
            pltpu.VMEM((W_PER_TILE,), jnp.float32),
            pltpu.VMEM_SHARED((NW,), jnp.int32),
        ],
    )


CH = 2048
STEPS = NW // CH
OUTW = 2 * (D0 + D1 + 1)


def _tc_body(mask_ref, q0_ref, q1_ref, wg_ref, wq0_ref, wq1_ref,
             out_ref, acc0_ref, acc1_ref, accg_ref):
    i = pl.program_id(0)

    @pl.when(i == 0)
    def _init():
        acc0_ref[...] = q0_ref[...]
        acc1_ref[...] = q1_ref[...]
        accg_ref[...] = jnp.full_like(accg_ref, -PRUNE)

    m = mask_ref[0, 0, :]
    acc0_ref[...] += jnp.sum(wq0_ref[...] * m[None, :, None], axis=1)
    acc1_ref[...] += jnp.sum(wq1_ref[...] * m[None, :, None], axis=1)
    accg_ref[...] += jnp.sum(wg_ref[...], axis=1, keepdims=True)

    @pl.when(i == STEPS - 1)
    def _emit():
        out_ref[:, 0:D0] = q0_ref[...]
        out_ref[:, D0:D0 + D1] = q1_ref[...]
        out_ref[:, D0 + D1:D0 + D1 + 1] = jnp.zeros_like(accg_ref)
        out_ref[:, D0 + D1 + 1:2 * D0 + D1 + 1] = acc0_ref[...]
        out_ref[:, 2 * D0 + D1 + 1:2 * D0 + 2 * D1 + 1] = acc1_ref[...]
        out_ref[:, OUTW - 1:OUTW] = accg_ref[...]


_tc_reduce = pl.pallas_call(
    _tc_body,
    grid=(STEPS,),
    in_specs=[
        pl.BlockSpec((1, 1, CH), lambda i: (i, 0, 0)),
        pl.BlockSpec((B, D0), lambda i: (0, 0)),
        pl.BlockSpec((B, D1), lambda i: (0, 0)),
        pl.BlockSpec((B, CH), lambda i: (0, i)),
        pl.BlockSpec((B, CH, D0), lambda i: (0, i, 0)),
        pl.BlockSpec((B, CH, D1), lambda i: (0, i, 0)),
    ],
    out_specs=pl.BlockSpec((B, OUTW), lambda i: (0, 0)),
    out_shape=jax.ShapeDtypeStruct((B, OUTW), jnp.float32),
    scratch_shapes=[
        pltpu.VMEM((B, D0), jnp.float32),
        pltpu.VMEM((B, D1), jnp.float32),
        pltpu.VMEM((B, 1), jnp.float32),
    ],
    compiler_params=pltpu.CompilerParams(
        dimension_semantics=("arbitrary",),
    ),
)


def kernel(qs_0, qs_1, write_idx, write_G, write_qs0, write_qs1):
    mask = _sc_is_last()(write_idx)
    return _tc_reduce(
        mask.reshape(STEPS, 1, CH),
        qs_0.reshape(B, D0),
        qs_1.reshape(B, D1),
        write_G.reshape(B, NW),
        write_qs0,
        write_qs1,
    )

# --- scband reference (transcript-rebuilt; emitter-appended) ---
"""Pipeline reference for scband-tree-29918742184747 (READ-ONLY COPY).

The authoritative reference and input builder live on the scoring server;
editing this copy changes nothing except your own understanding.
"""

import jax, jax.numpy as jnp
import numpy as np

B = 4
N = 65536
BR = 32
D0 = 128
D1 = 64
NA = 2
NO = 2
PRUNE = 512.0
NW = 8192


def setup_inputs(seed: int = 0) -> dict:
    key = jax.random.key(seed)
    ks = jax.random.split(key, 6)
    qs_0 = jax.random.normal(ks[0], (B, 1, D0), dtype=jnp.float32)
    qs_1 = jax.random.normal(ks[1], (B, 1, D1), dtype=jnp.float32)
    write_idx = jax.random.randint(ks[2], (NW,), 1, N, dtype=jnp.int32)
    write_G = jax.random.normal(ks[3], (B, NW, 1), dtype=jnp.float32)
    write_qs0 = jax.random.normal(ks[4], (B, NW, D0), dtype=jnp.float32)
    write_qs1 = jax.random.normal(ks[5], (B, NW, D1), dtype=jnp.float32)
    return {"qs_0": qs_0, "qs_1": qs_1, "write_idx": write_idx,
            "write_G": write_G, "write_qs0": write_qs0, "write_qs1": write_qs1}


def reference(qs_0, qs_1, write_idx, write_G, write_qs0, write_qs1):
    # ---- Tree.__init__: preallocate node memory and scatter root state ----
    q0 = jnp.zeros((B, N, 1, D0), dtype=jnp.float32)
    q1 = jnp.zeros((B, N, 1, D1), dtype=jnp.float32)
    observation = -jnp.ones((B, N, NO), dtype=jnp.int32)
    G = jnp.zeros((B, N, 1), dtype=jnp.float32)
    G = G.at[:, -1, :].set(-PRUNE)
    used = jnp.zeros((B, N, 1), dtype=bool)
    horizon = jnp.zeros((B, N, 1), dtype=jnp.int32)
    q0 = q0.at[:, 0, ...].set(qs_0)
    q1 = q1.at[:, 0, ...].set(qs_1)
    used = used.at[:, 0].set(True)
    observation = observation.at[:, 0].set(0)
    # ---- expansion phase: scatter new node data into preallocated memory ----
    q0 = q0.at[:, write_idx, 0, :].set(write_qs0)
    q1 = q1.at[:, write_idx, 0, :].set(write_qs1)
    G = G.at[:, write_idx, :].add(write_G)
    used = used.at[:, write_idx].set(True)
    horizon = horizon.at[:, write_idx].set(1)
    # ---- root(): root_idx lookup per batch element (non-batched semantics) ----
    root_q0 = []
    root_q1 = []
    root_G = []
    for b in range(B):
        cond = used[b, :, 0] & (horizon[b] == 0)[:, 0] & ~jnp.all(observation[b] == -1, axis=-1)
        ridx = jnp.argwhere(cond, size=1, fill_value=-1)[0, 0]
        root_q0.append(q0[b, ridx, 0, :])
        root_q1.append(q1[b, ridx, 0, :])
        root_G.append(G[b, ridx])
    root_q0 = jnp.stack(root_q0)
    root_q1 = jnp.stack(root_q1)
    root_G = jnp.stack(root_G)
    # pooled summaries over the whole tree memory (keeps scatters live)
    pooled0 = jnp.sum(q0[:, :, 0, :], axis=1)
    pooled1 = jnp.sum(q1[:, :, 0, :], axis=1)
    sumG = jnp.sum(G, axis=1)
    out = jnp.concatenate([root_q0, root_q1, root_G, pooled0, pooled1, sumG], axis=-1)
    return out

if __name__ == "__main__":
    import jax
    _d = setup_inputs()
    print(jax.jit(kernel)(*tuple(_d.values())))

</pallas_src>

<mosaic_0001>
#map = affine_map<(d0, d1) -> (0)>
module attributes {stable_mosaic.version = 14 : i64} {
  func.func @_sc_is_last_body(%arg0: i32, %arg1: i32, %arg2: memref<8192xi32, #tpu.memory_space<hbm>>, %arg3: memref<8192xf32, #tpu.memory_space<hbm>>, %arg4: memref<8192xi32, #tpu.memory_space<vmem>>, %arg5: memref<65536xi32, #tpu.memory_space<vmem>>, %arg6: memref<512xi32, #tpu.memory_space<vmem>>, %arg7: memref<8192xi32, #tpu.memory_space<vmem>>, %arg8: memref<256xf32, #tpu.memory_space<vmem>>, %arg9: memref<8192xi32, #tpu.memory_space<vmem_shared>>) attributes {dimension_semantics = [#tpu.dimension_semantics<core_parallel>, #tpu.dimension_semantics<subcore_parallel>], iteration_bounds = array<i64: 2, 16>, scalar_prefetch = 0 : i64, scratch_operands = 6 : i64, tpu.core_type = #tpu.core_type<sc_vector_subcore>, window_params = [{transform_indices = #map}, {transform_indices = #map}]} {
    %mul3A = arith.constant 2 : i32
    %mul3A_0 = arith.muli %arg1, %mul3A : i32
    %add3A = arith.addi %mul3A_0, %arg0 : i32
    "tpu.region"() ({
      %run_scoped3A = tpu.sem_alloc : memref<!tpu.dma_semaphore, #tpu.memory_space<semaphore_mem>>
      tpu.enqueue_dma source(%arg2 : memref<8192xi32, #tpu.memory_space<hbm>>) target(%arg4 : memref<8192xi32, #tpu.memory_space<vmem>>) target_semaphore(%run_scoped3A : memref<!tpu.dma_semaphore, #tpu.memory_space<semaphore_mem>>)
      tpu.wait_dma2 semaphore(%run_scoped3A : memref<!tpu.dma_semaphore, #tpu.memory_space<semaphore_mem>>) src(%arg2 : memref<8192xi32, #tpu.memory_space<hbm>>) dst(%arg4 : memref<8192xi32, #tpu.memory_space<vmem>>)
      tpu.yield
    }) : () -> ()
    %iota3A = tpu.iota {dimensions = array<i32: 0>} : vector<16xi32>
    %mul3A_1 = arith.constant 32 : i32
    %mul3A_2 = arith.muli %arg1, %mul3A_1 : i32
    %add3A_3 = arith.constant 0 : i32
    %add3A_4 = arith.addi %mul3A_2, %add3A_3 : i32
    %mul3A_5 = arith.constant 16 : i32
    %mul3A_6 = arith.muli %add3A_4, %mul3A_5 : i32
    %get3A = arith.index_cast %mul3A_6 : i32 to index
    %get3A_7 = tpu.vector_load %arg4[%get3A] {strides = array<i32>} : memref<8192xi32, #tpu.memory_space<vmem>>, vector<16xi32>,
    %broadcast_in_dim3A = arith.constant true
    %broadcast_in_dim3A_8 = vector.broadcast %broadcast_in_dim3A : i1 to vector<16xi1>
    %unique3A, %unique3A_9 = tpu.scan_count mask(%broadcast_in_dim3A_8 : vector<16xi1>) value(%get3A_7 : vector<16xi32>) : vector<16xi1>, vector<16xi32>
    %jit3A = arith.constant 1 : i32
    %jit3A_10 = arith.constant 0 : i32
    %broadcast_in_dim3A_11 = vector.broadcast %jit3A : i32 to vector<16xi32>
    %broadcast_in_dim3A_12 = vector.broadcast %jit3A_10 : i32 to vector<16xi32>
    %select_n3A = arith.select %unique3A, %broadcast_in_dim3A_11, %broadcast_in_dim3A_12 : vector<16xi1>, vector<16xi32>
    %swap3A = arith.constant 0 : index
    %swap3A_13 = tpu.vector_load %arg6[%swap3A] {strides = array<i32>} : memref<512xi32, #tpu.memory_space<vmem>>, vector<16xi32>,
    tpu.vector_store %arg6[%swap3A], %select_n3A {strides = array<i32>} : memref<512xi32, #tpu.memory_space<vmem>>, vector<16xi32>,
    %mul3A_14 = arith.constant 32 : i32
    %mul3A_15 = arith.muli %arg1, %mul3A_14 : i32
    %add3A_16 = arith.constant 1 : i32
    %add3A_17 = arith.addi %mul3A_15, %add3A_16 : i32
    %mul3A_18 = arith.constant 16 : i32
    %mul3A_19 = arith.muli %add3A_17, %mul3A_18 : i32
    %get3A_20 = arith.index_cast %mul3A_19 : i32 to index
    %get3A_21 = tpu.vector_load %arg4[%get3A_20] {strides = array<i32>} : memref<8192xi32, #tpu.memory_space<vmem>>, vector<16xi32>,
    %broadcast_in_dim3A_22 = arith.constant true
    %broadcast_in_dim3A_23 = vector.broadcast %broadcast_in_dim3A_22 : i1 to vector<16xi1>
    %unique3A_24, %unique3A_25 = tpu.scan_count mask(%broadcast_in_dim3A_23 : vector<16xi1>) value(%get3A_21 : vector<16xi32>) : vector<16xi1>, vector<16xi32>
    %jit3A_26 = arith.constant 1 : i32
    %jit3A_27 = arith.constant 0 : i32
    %broadcast_in_dim3A_28 = vector.broadcast %jit3A_26 : i32 to vector<16xi32>
    %broadcast_in_dim3A_29 = vector.broadcast %jit3A_27 : i32 to vector<16xi32>
    %select_n3A_30 = arith.select %unique3A_24, %broadcast_in_dim3A_28, %broadcast_in_dim3A_29 : vector<16xi1>, vector<16xi32>
    %swap3A_31 = arith.constant 16 : index
    %swap3A_32 = tpu.vector_load %arg6[%swap3A_31] {strides = array<i32>} : memref<512xi32, #tpu.memory_space<vmem>>, vector<16xi32>,
    tpu.vector_store %arg6[%swap3A_31], %select_n3A_30 {strides = array<i32>} : memref<512xi32, #tpu.memory_space<vmem>>, vector<16xi32>,
    %mul3A_33 = arith.constant 32 : i32
    %mul3A_34 = arith.muli %arg1, %mul3A_33 : i32
    %add3A_35 = arith.constant 2 : i32
    %add3A_36 = arith.addi %mul3A_34, %add3A_35 : i32
    %mul3A_37 = arith.constant 16 : i32
    %mul3A_38 = arith.muli %add3A_36, %mul3A_37 : i32
    %get3A_39 = arith.index_cast %mul3A_38 : i32 to index
    %get3A_40 = tpu.vector_load %arg4[%get3A_39] {strides = array<i32>} : memref<8192xi32, #tpu.memory_space<vmem>>, vector<16xi32>,
    %broadcast_in_dim3A_41 = arith.constant true
    %broadcast_in_dim3A_42 = vector.broadcast %broadcast_in_dim3A_41 : i1 to vector<16xi1>
    %unique3A_43, %unique3A_44 = tpu.scan_count mask(%broadcast_in_dim3A_42 : vector<16xi1>) value(%get3A_40 : vector<16xi32>) : vector<16xi1>, vector<16xi32>
    %jit3A_45 = arith.constant 1 : i32
    %jit3A_46 = arith.constant 0 : i32
    %broadcast_in_dim3A_47 = vector.broadcast %jit3A_45 : i32 to vector<16xi32>
    %broadcast_in_dim3A_48 = vector.broadcast %jit3A_46 : i32 to vector<16xi32>
    %select_n3A_49 = arith.select %unique3A_43, %broadcast_in_dim3A_47, %broadcast_in_dim3A_48 : vector<16xi1>, vector<16xi32>
    %swap3A_50 = arith.constant 32 : index
    %swap3A_51 = tpu.vector_load %arg6[%swap3A_50] {strides = array<i32>} : memref<512xi32, #tpu.memory_space<vmem>>, vector<16xi32>,
    tpu.vector_store %arg6[%swap3A_50], %select_n3A_49 {strides = array<i32>} : memref<512xi32, #tpu.memory_space<vmem>>, vector<16xi32>,
    %mul3A_52 = arith.constant 32 : i32
    %mul3A_53 = arith.muli %arg1, %mul3A_52 : i32
    %add3A_54 = arith.constant 3 : i32
    %add3A_55 = arith.addi %mul3A_53, %add3A_54 : i32
    %mul3A_56 = arith.constant 16 : i32
    %mul3A_57 = arith.muli %add3A_55, %mul3A_56 : i32
    %get3A_58 = arith.index_cast %mul3A_57 : i32 to index
    %get3A_59 = tpu.vector_load %arg4[%get3A_58] {strides = array<i32>} : memref<8192xi32, #tpu.memory_space<vmem>>, vector<16xi32>,
    %broadcast_in_dim3A_60 = arith.constant true
    %broadcast_in_dim3A_61 = vector.broadcast %broadcast_in_dim3A_60 : i1 to vector<16xi1>
    %unique3A_62, %unique3A_63 = tpu.scan_count mask(%broadcast_in_dim3A_61 : vector<16xi1>) value(%get3A_59 : vector<16xi32>) : vector<16xi1>, vector<16xi32>
    %jit3A_64 = arith.constant 1 : i32
    %jit3A_65 = arith.constant 0 : i32
    %broadcast_in_dim3A_66 = vector.broadcast %jit3A_64 : i32 to vector<16xi32>
    %broadcast_in_dim3A_67 = vector.broadcast %jit3A_65 : i32 to vector<16xi32>
    %select_n3A_68 = arith.select %unique3A_62, %broadcast_in_dim3A_66, %broadcast_in_dim3A_67 : vector<16xi1>, vector<16xi32>
    %swap3A_69 = arith.constant 48 : index
    %swap3A_70 = tpu.vector_load %arg6[%swap3A_69] {strides = array<i32>} : memref<512xi32, #tpu.memory_space<vmem>>, vector<16xi32>,
    tpu.vector_store %arg6[%swap3A_69], %select_n3A_68 {strides = array<i32>} : memref<512xi32, #tpu.memory_space<vmem>>, vector<16xi32>,
    %mul3A_71 = arith.constant 32 : i32
    %mul3A_72 = arith.muli %arg1, %mul3A_71 : i32
    %add3A_73 = arith.constant 4 : i32
    %add3A_74 = arith.addi %mul3A_72, %add3A_73 : i32
    %mul3A_75 = arith.constant 16 : i32
    %mul3A_76 = arith.muli %add3A_74, %mul3A_75 : i32
    %get3A_77 = arith.index_cast %mul3A_76 : i32 to index
    %get3A_78 = tpu.vector_load %arg4[%get3A_77] {strides = array<i32>} : memref<8192xi32, #tpu.memory_space<vmem>>, vector<16xi32>,
    %broadcast_in_dim3A_79 = arith.constant true
    %broadcast_in_dim3A_80 = vector.broadcast %broadcast_in_dim3A_79 : i1 to vector<16xi1>
    %unique3A_81, %unique3A_82 = tpu.scan_count mask(%broadcast_in_dim3A_80 : vector<16xi1>) value(%get3A_78 : vector<16xi32>) : vector<16xi1>, vector<16xi32>
    %jit3A_83 = arith.constant 1 : i32
    %jit3A_84 = arith.constant 0 : i32
    %broadcast_in_dim3A_85 = vector.broadcast %jit3A_83 : i32 to vector<16xi32>
    %broadcast_in_dim3A_86 = vector.broadcast %jit3A_84 : i32 to vector<16xi32>
    %select_n3A_87 = arith.select %unique3A_81, %broadcast_in_dim3A_85, %broadcast_in_dim3A_86 : vector<16xi1>, vector<16xi32>
    %swap3A_88 = arith.constant 64 : index
    %swap3A_89 = tpu.vector_load %arg6[%swap3A_88] {strides = array<i32>} : memref<512xi32, #tpu.memory_space<vmem>>, vector<16xi32>,
    tpu.vector_store %arg6[%swap3A_88], %select_n3A_87 {strides = array<i32>} : memref<512xi32, #tpu.memory_space<vmem>>, vector<16xi32>,
    %mul3A_90 = arith.constant 32 : i32
    %mul3A_91 = arith.muli %arg1, %mul3A_90 : i32
    %add3A_92 = arith.constant 5 : i32
    %add3A_93 = arith.addi %mul3A_91, %add3A_92 : i32
    %mul3A_94 = arith.constant 16 : i32
    %mul3A_95 = arith.muli %add3A_93, %mul3A_94 : i32
    %get3A_96 = arith.index_cast %mul3A_95 : i32 to index
    %get3A_97 = tpu.vector_load %arg4[%get3A_96] {strides = array<i32>} : memref<8192xi32, #tpu.memory_space<vmem>>, vector<16xi32>,
    %broadcast_in_dim3A_98 = arith.constant true
    %broadcast_in_dim3A_99 = vector.broadcast %broadcast_in_dim3A_98 : i1 to vector<16xi1>
    %unique3A_100, %unique3A_101 = tpu.scan_count mask(%broadcast_in_dim3A_99 : vector<16xi1>) value(%get3A_97 : vector<16xi32>) : vector<16xi1>, vector<16xi32>
    %jit3A_102 = arith.constant 1 : i32
    %jit3A_103 = arith.constant 0 : i32
    %broadcast_in_dim3A_104 = vector.broadcast %jit3A_102 : i32 to vector<16xi32>
    %broadcast_in_dim3A_105 = vector.broadcast %jit3A_103 : i32 to vector<16xi32>
    %select_n3A_106 = arith.select %unique3A_100, %broadcast_in_dim3A_104, %broadcast_in_dim3A_105 : vector<16xi1>, vector<16xi32>
    %swap3A_107 = arith.constant 80 : index
    %swap3A_108 = tpu.vector_load %arg6[%swap3A_107] {strides = array<i32>} : memref<512xi32, #tpu.memory_space<vmem>>, vector<16xi32>,
    tpu.vector_store %arg6[%swap3A_107], %select_n3A_106 {strides = array<i32>} : memref<512xi32, #tpu.memory_space<vmem>>, vector<16xi32>,
    %mul3A_109 = arith.constant 32 : i32
    %mul3A_110 = arith.muli %arg1, %mul3A_109 : i32
    %add3A_111 = arith.constant 6 : i32
    %add3A_112 = arith.addi %mul3A_110, %add3A_111 : i32
    %mul3A_113 = arith.constant 16 : i32
    %mul3A_114 = arith.muli %add3A_112, %mul3A_113 : i32
    %get3A_115 = arith.index_cast %mul3A_114 : i32 to index
    %get3A_116 = tpu.vector_load %arg4[%get3A_115] {strides = array<i32>} : memref<8192xi32, #tpu.memory_space<vmem>>, vector<16xi32>,
    %broadcast_in_dim3A_117 = arith.constant true
    %broadcast_in_dim3A_118 = vector.broadcast %broadcast_in_dim3A_117 : i1 to vector<16xi1>
    %unique3A_119, %unique3A_120 = tpu.scan_count mask(%broadcast_in_dim3A_118 : vector<16xi1>) value(%get3A_116 : vector<16xi32>) : vector<16xi1>, vector<16xi32>
    %jit3A_121 = arith.constant 1 : i32
    %jit3A_122 = arith.constant 0 : i32
    %broadcast_in_dim3A_123 = vector.broadcast %jit3A_121 : i32 to vector<16xi32>
    %broadcast_in_dim3A_124 = vector.broadcast %jit3A_122 : i32 to vector<16xi32>
    %select_n3A_125 = arith.select %unique3A_119, %broadcast_in_dim3A_123, %broadcast_in_dim3A_124 : vector<16xi1>, vector<16xi32>
    %swap3A_126 = arith.constant 96 : index
    %swap3A_127 = tpu.vector_load %arg6[%swap3A_126] {strides = array<i32>} : memref<512xi32, #tpu.memory_space<vmem>>, vector<16xi32>,
    tpu.vector_store %arg6[%swap3A_126], %select_n3A_125 {strides = array<i32>} : memref<512xi32, #tpu.memory_space<vmem>>, vector<16xi32>,
    %mul3A_128 = arith.constant 32 : i32
    %mul3A_129 = arith.muli %arg1, %mul3A_128 : i32
    %add3A_130 = arith.constant 7 : i32
    %add3A_131 = arith.addi %mul3A_129, %add3A_130 : i32
    %mul3A_132 = arith.constant 16 : i32
    %mul3A_133 = arith.muli %add3A_131, %mul3A_132 : i32
    %get3A_134 = arith.index_cast %mul3A_133 : i32 to index
    %get3A_135 = tpu.vector_load %arg4[%get3A_134] {strides = array<i32>} : memref<8192xi32, #tpu.memory_space<vmem>>, vector<16xi32>,
    %broadcast_in_dim3A_136 = arith.constant true
    %broadcast_in_dim3A_137 = vector.broadcast %broadcast_in_dim3A_136 : i1 to vector<16xi1>
    %unique3A_138, %unique3A_139 = tpu.scan_count mask(%broadcast_in_dim3A_137 : vector<16xi1>) value(%get3A_135 : vector<16xi32>) : vector<16xi1>, vector<16xi32>
    %jit3A_140 = arith.constant 1 : i32
    %jit3A_141 = arith.constant 0 : i32
    %broadcast_in_dim3A_142 = vector.broadcast %jit3A_140 : i32 to vector<16xi32>
    %broadcast_in_dim3A_143 = vector.broadcast %jit3A_141 : i32 to vector<16xi32>
    %select_n3A_144 = arith.select %unique3A_138, %broadcast_in_dim3A_142, %broadcast_in_dim3A_143 : vector<16xi1>, vector<16xi32>
    %swap3A_145 = arith.constant 112 : index
    %swap3A_146 = tpu.vector_load %arg6[%swap3A_145] {strides = array<i32>} : memref<512xi32, #tpu.memory_space<vmem>>, vector<16xi32>,
    tpu.vector_store %arg6[%swap3A_145], %select_n3A_144 {strides = array<i32>} : memref<512xi32, #tpu.memory_space<vmem>>, vector<16xi32>,
    %mul3A_147 = arith.constant 32 : i32
    %mul3A_148 = arith.muli %arg1, %mul3A_147 : i32
    %add3A_149 = arith.constant 8 : i32
    %add3A_150 = arith.addi %mul3A_148, %add3A_149 : i32
    %mul3A_151 = arith.constant 16 : i32
    %mul3A_152 = arith.muli %add3A_150, %mul3A_151 : i32
    %get3A_153 = arith.index_cast %mul3A_152 : i32 to index
    %get3A_154 = tpu.vector_load %arg4[%get3A_153] {strides = array<i32>} : memref<8192xi32, #tpu.memory_space<vmem>>, vector<16xi32>,
    %broadcast_in_dim3A_155 = arith.constant true
    %broadcast_in_dim3A_156 = vector.broadcast %broadcast_in_dim3A_155 : i1 to vector<16xi1>
    %unique3A_157, %unique3A_158 = tpu.scan_count mask(%broadcast_in_dim3A_156 : vector<16xi1>) value(%get3A_154 : vector<16xi32>) : vector<16xi1>, vector<16xi32>
    %jit3A_159 = arith.constant 1 : i32
    %jit3A_160 = arith.constant 0 : i32
    %broadcast_in_dim3A_161 = vector.broadcast %jit3A_159 : i32 to vector<16xi32>
    %broadcast_in_dim3A_162 = vector.broadcast %jit3A_160 : i32 to vector<16xi32>
    %select_n3A_163 = arith.select %unique3A_157, %broadcast_in_dim3A_161, %broadcast_in_dim3A_162 : vector<16xi1>, vector<16xi32>
    %swap3A_164 = arith.constant 128 : index
    %swap3A_165 = tpu.vector_load %arg6[%swap3A_164] {strides = array<i32>} : memref<512xi32, #tpu.memory_space<vmem>>, vector<16xi32>,
    tpu.vector_store %arg6[%swap3A_164], %select_n3A_163 {strides = array<i32>} : memref<512xi32, #tpu.memory_space<vmem>>, vector<16xi32>,
    %mul3A_166 = arith.constant 32 : i32
    %mul3A_167 = arith.muli %arg1, %mul3A_166 : i32
    %add3A_168 = arith.constant 9 : i32
    %add3A_169 = arith.addi %mul3A_167, %add3A_168 : i32
    %mul3A_170 = arith.constant 16 : i32
    %mul3A_171 = arith.muli %add3A_169, %mul3A_170 : i32
    %get3A_172 = arith.index_cast %mul3A_171 : i32 to index
    %get3A_173 = tpu.vector_load %arg4[%get3A_172] {strides = array<i32>} : memref<8192xi32, #tpu.memory_space<vmem>>, vector<16xi32>,
    %broadcast_in_dim3A_174 = arith.constant true
    %broadcast_in_dim3A_175 = vector.broadcast %broadcast_in_dim3A_174 : i1 to vector<16xi1>
    %unique3A_176, %unique3A_177 = tpu.scan_count mask(%broadcast_in_dim3A_175 : vector<16xi1>) value(%get3A_173 : vector<16xi32>) : vector<16xi1>, vector<16xi32>
    %jit3A_178 = arith.constant 1 : i32
    %jit3A_179 = arith.constant 0 : i32
    %broadcast_in_dim3A_180 = vector.broadcast %jit3A_178 : i32 to vector<16xi32>
    %broadcast_in_dim3A_181 = vector.broadcast %jit3A_179 : i32 to vector<16xi32>
    %select_n3A_182 = arith.select %unique3A_176, %broadcast_in_dim3A_180, %broadcast_in_dim3A_181 : vector<16xi1>, vector<16xi32>
    %swap3A_183 = arith.constant 144 : index
    %swap3A_184 = tpu.vector_load %arg6[%swap3A_183] {strides = array<i32>} : memref<512xi32, #tpu.memory_space<vmem>>, vector<16xi32>,
    tpu.vector_store %arg6[%swap3A_183], %select_n3A_182 {strides = array<i32>} : memref<512xi32, #tpu.memory_space<vmem>>, vector<16xi32>,
    %mul3A_185 = arith.constant 32 : i32
    %mul3A_186 = arith.muli %arg1, %mul3A_185 : i32
    %add3A_187 = arith.constant 10 : i32
    %add3A_188 = arith.addi %mul3A_186, %add3A_187 : i32
    %mul3A_189 = arith.constant 16 : i32
    %mul3A_190 = arith.muli %add3A_188, %mul3A_189 : i32
    %get3A_191 = arith.index_cast %mul3A_190 : i32 to index
    %get3A_192 = tpu.vector_load %arg4[%get3A_191] {strides = array<i32>} : memref<8192xi32, #tpu.memory_space<vmem>>, vector<16xi32>,
    %broadcast_in_dim3A_193 = arith.constant true
    %broadcast_in_dim3A_194 = vector.broadcast %broadcast_in_dim3A_193 : i1 to vector<16xi1>
    %unique3A_195, %unique3A_196 = tpu.scan_count mask(%broadcast_in_dim3A_194 : vector<16xi1>) value(%get3A_192 : vector<16xi32>) : vector<16xi1>, vector<16xi32>
    %jit3A_197 = arith.constant 1 : i32
    %jit3A_198 = arith.constant 0 : i32
    %broadcast_in_dim3A_199 = vector.broadcast %jit3A_197 : i32 to vector<16xi32>
    %broadcast_in_dim3A_200 = vector.broadcast %jit3A_198 : i32 to vector<16xi32>
    %select_n3A_201 = arith.select %unique3A_195, %broadcast_in_dim3A_199, %broadcast_in_dim3A_200 : vector<16xi1>, vector<16xi32>
    %swap3A_202 = arith.constant 160 : index
    %swap3A_203 = tpu.vector_load %arg6[%swap3A_202] {strides = array<i32>} : memref<512xi32, #tpu.memory_space<vmem>>, vector<16xi32>,
    tpu.vector_store %arg6[%swap3A_202], %select_n3A_201 {strides = array<i32>} : memref<512xi32, #tpu.memory_space<vmem>>, vector<16xi32>,
    %mul3A_204 = arith.constant 32 : i32
    %mul3A_205 = arith.muli %arg1, %mul3A_204 : i32
    %add3A_206 = arith.constant 11 : i32
    %add3A_207 = arith.addi %mul3A_205, %add3A_206 : i32
    %mul3A_208 = arith.constant 16 : i32
    %mul3A_209 = arith.muli %add3A_207, %mul3A_208 : i32
    %get3A_210 = arith.index_cast %mul3A_209 : i32 to index
    %get3A_211 = tpu.vector_load %arg4[%get3A_210] {strides = array<i32>} : memref<8192xi32, #tpu.memory_space<vmem>>, vector<16xi32>,
    %broadcast_in_dim3A_212 = arith.constant true
    %broadcast_in_dim3A_213 = vector.broadcast %broadcast_in_dim3A_212 : i1 to vector<16xi1>
    %unique3A_214, %unique3A_215 = tpu.scan_count mask(%broadcast_in_dim3A_213 : vector<16xi1>) value(%get3A_211 : vector<16xi32>) : vector<16xi1>, vector<16xi32>
    %jit3A_216 = arith.constant 1 : i32
    %jit3A_217 = arith.constant 0 : i32
    %broadcast_in_dim3A_218 = vector.broadcast %jit3A_216 : i32 to vector<16xi32>
    %broadcast_in_dim3A_219 = vector.broadcast %jit3A_217 : i32 to vector<16xi32>
    %select_n3A_220 = arith.select %unique3A_214, %broadcast_in_dim3A_218, %broadcast_in_dim3A_219 : vector<16xi1>, vector<16xi32>
    %swap3A_221 = arith.constant 176 : index
    %swap3A_222 = tpu.vector_load %arg6[%swap3A_221] {strides = array<i32>} : memref<512xi32, #tpu.memory_space<vmem>>, vector<16xi32>,
    tpu.vector_store %arg6[%swap3A_221], %select_n3A_220 {strides = array<i32>} : memref<512xi32, #tpu.memory_space<vmem>>, vector<16xi32>,
    %mul3A_223 = arith.constant 32 : i32
    %mul3A_224 = arith.muli %arg1, %mul3A_223 : i32
    %add3A_225 = arith.constant 12 : i32
    %add3A_226 = arith.addi %mul3A_224, %add3A_225 : i32
    %mul3A_227 = arith.constant 16 : i32
    %mul3A_228 = arith.muli %add3A_226, %mul3A_227 : i32
    %get3A_229 = arith.index_cast %mul3A_228 : i32 to index
    %get3A_230 = tpu.vector_load %arg4[%get3A_229] {strides = array<i32>} : memref<8192xi32, #tpu.memory_space<vmem>>, vector<16xi32>,
    %broadcast_in_dim3A_231 = arith.constant true
    %broadcast_in_dim3A_232 = vector.broadcast %broadcast_in_dim3A_231 : i1 to vector<16xi1>
    %unique3A_233, %unique3A_234 = tpu.scan_count mask(%broadcast_in_dim3A_232 : vector<16xi1>) value(%get3A_230 : vector<16xi32>) : vector<16xi1>, vector<16xi32>
    %jit3A_235 = arith.constant 1 : i32
    %jit3A_236 = arith.constant 0 : i32
    %broadcast_in_dim3A_237 = vector.broadcast %jit3A_235 : i32 to vector<16xi32>
    %broadcast_in_dim3A_238 = vector.broadcast %jit3A_236 : i32 to vector<16xi32>
    %select_n3A_239 = arith.select %unique3A_233, %broadcast_in_dim3A_237, %broadcast_in_dim3A_238 : vector<16xi1>, vector<16xi32>
    %swap3A_240 = arith.constant 192 : index
    %swap3A_241 = tpu.vector_load %arg6[%swap3A_240] {strides = array<i32>} : memref<512xi32, #tpu.memory_space<vmem>>, vector<16xi32>,
    tpu.vector_store %arg6[%swap3A_240], %select_n3A_239 {strides = array<i32>} : memref<512xi32, #tpu.memory_space<vmem>>, vector<16xi32>,
    %mul3A_242 = arith.constant 32 : i32
    %mul3A_243 = arith.muli %arg1, %mul3A_242 : i32
    %add3A_244 = arith.constant 13 : i32
    %add3A_245 = arith.addi %mul3A_243, %add3A_244 : i32
    %mul3A_246 = arith.constant 16 : i32
    %mul3A_247 = arith.muli %add3A_245, %mul3A_246 : i32
    %get3A_248 = arith.index_cast %mul3A_247 : i32 to index
    %get3A_249 = tpu.vector_load %arg4[%get3A_248] {strides = array<i32>} : memref<8192xi32, #tpu.memory_space<vmem>>, vector<16xi32>,
    %broadcast_in_dim3A_250 = arith.constant true
    %broadcast_in_dim3A_251 = vector.broadcast %broadcast_in_dim3A_250 : i1 to vector<16xi1>
    %unique3A_252, %unique3A_253 = tpu.scan_count mask(%broadcast_in_dim3A_251 : vector<16xi1>) value(%get3A_249 : vector<16xi32>) : vector<16xi1>, vector<16xi32>
    %jit3A_254 = arith.constant 1 : i32
    %jit3A_255 = arith.constant 0 : i32
    %broadcast_in_dim3A_256 = vector.broadcast %jit3A_254 : i32 to vector<16xi32>
    %broadcast_in_dim3A_257 = vector.broadcast %jit3A_255 : i32 to vector<16xi32>
    %select_n3A_258 = arith.select %unique3A_252, %broadcast_in_dim3A_256, %broadcast_in_dim3A_257 : vector<16xi1>, vector<16xi32>
    %swap3A_259 = arith.constant 208 : index
    %swap3A_260 = tpu.vector_load %arg6[%swap3A_259] {strides = array<i32>} : memref<512xi32, #tpu.memory_space<vmem>>, vector<16xi32>,
    tpu.vector_store %arg6[%swap3A_259], %select_n3A_258 {strides = array<i32>} : memref<512xi32, #tpu.memory_space<vmem>>, vector<16xi32>,
    %mul3A_261 = arith.constant 32 : i32
    %mul3A_262 = arith.muli %arg1, %mul3A_261 : i32
    %add3A_263 = arith.constant 14 : i32
    %add3A_264 = arith.addi %mul3A_262, %add3A_263 : i32
    %mul3A_265 = arith.constant 16 : i32
    %mul3A_266 = arith.muli %add3A_264, %mul3A_265 : i32
    %get3A_267 = arith.index_cast %mul3A_266 : i32 to index
    %get3A_268 = tpu.vector_load %arg4[%get3A_267] {strides = array<i32>} : memref<8192xi32, #tpu.memory_space<vmem>>, vector<16xi32>,
    %broadcast_in_dim3A_269 = arith.constant true
    %broadcast_in_dim3A_270 = vector.broadcast %broadcast_in_dim3A_269 : i1 to vector<16xi1>
    %unique3A_271, %unique3A_272 = tpu.scan_count mask(%broadcast_in_dim3A_270 : vector<16xi1>) value(%get3A_268 : vector<16xi32>) : vector<16xi1>, vector<16xi32>
    %jit3A_273 = arith.constant 1 : i32
    %jit3A_274 = arith.constant 0 : i32
    %broadcast_in_dim3A_275 = vector.broadcast %jit3A_273 : i32 to vector<16xi32>
    %broadcast_in_dim3A_276 = vector.broadcast %jit3A_274 : i32 to vector<16xi32>
    %select_n3A_277 = arith.select %unique3A_271, %broadcast_in_dim3A_275, %broadcast_in_dim3A_276 : vector<16xi1>, vector<16xi32>
    %swap3A_278 = arith.constant 224 : index
    %swap3A_279 = tpu.vector_load %arg6[%swap3A_278] {strides = array<i32>} : memref<512xi32, #tpu.memory_space<vmem>>, vector<16xi32>,
    tpu.vector_store %arg6[%swap3A_278], %select_n3A_277 {strides = array<i32>} : memref<512xi32, #tpu.memory_space<vmem>>, vector<16xi32>,
    %mul3A_280 = arith.constant 32 : i32
    %mul3A_281 = arith.muli %arg1, %mul3A_280 : i32
    %add3A_282 = arith.constant 15 : i32
    %add3A_283 = arith.addi %mul3A_281, %add3A_282 : i32
    %mul3A_284 = arith.constant 16 : i32
    %mul3A_285 = arith.muli %add3A_283, %mul3A_284 : i32
    %get3A_286 = arith.index_cast %mul3A_285 : i32 to index
    %get3A_287 = tpu.vector_load %arg4[%get3A_286] {strides = array<i32>} : memref<8192xi32, #tpu.memory_space<vmem>>, vector<16xi32>,
    %broadcast_in_dim3A_288 = arith.constant true
    %broadcast_in_dim3A_289 = vector.broadcast %broadcast_in_dim3A_288 : i1 to vector<16xi1>
    %unique3A_290, %unique3A_291 = tpu.scan_count mask(%broadcast_in_dim3A_289 : vector<16xi1>) value(%get3A_287 : vector<16xi32>) : vector<16xi1>, vector<16xi32>
    %jit3A_292 = arith.constant 1 : i32
    %jit3A_293 = arith.constant 0 : i32
    %broadcast_in_dim3A_294 = vector.broadcast %jit3A_292 : i32 to vector<16xi32>
    %broadcast_in_dim3A_295 = vector.broadcast %jit3A_293 : i32 to vector<16xi32>
    %select_n3A_296 = arith.select %unique3A_290, %broadcast_in_dim3A_294, %broadcast_in_dim3A_295 : vector<16xi1>, vector<16xi32>
    %swap3A_297 = arith.constant 240 : index
    %swap3A_298 = tpu.vector_load %arg6[%swap3A_297] {strides = array<i32>} : memref<512xi32, #tpu.memory_space<vmem>>, vector<16xi32>,
    tpu.vector_store %arg6[%swap3A_297], %select_n3A_296 {strides = array<i32>} : memref<512xi32, #tpu.memory_space<vmem>>, vector<16xi32>,
    %mul3A_299 = arith.constant 32 : i32
    %mul3A_300 = arith.muli %arg1, %mul3A_299 : i32
    %add3A_301 = arith.constant 16 : i32
    %add3A_302 = arith.addi %mul3A_300, %add3A_301 : i32
    %mul3A_303 = arith.constant 16 : i32
    %mul3A_304 = arith.muli %add3A_302, %mul3A_303 : i32
    %get3A_305 = arith.index_cast %mul3A_304 : i32 to index
    %get3A_306 = tpu.vector_load %arg4[%get3A_305] {strides = array<i32>} : memref<8192xi32, #tpu.memory_space<vmem>>, vector<16xi32>,
    %broadcast_in_dim3A_307 = arith.constant true
    %broadcast_in_dim3A_308 = vector.broadcast %broadcast_in_dim3A_307 : i1 to vector<16xi1>
    %unique3A_309, %unique3A_310 = tpu.scan_count mask(%broadcast_in_dim3A_308 : vector<16xi1>) value(%get3A_306 : vector<16xi32>) : vector<16xi1>, vector<16xi32>
    %jit3A_311 = arith.constant 1 : i32
    %jit3A_312 = arith.constant 0 : i32
    %broadcast_in_dim3A_313 = vector.broadcast %jit3A_311 : i32 to vector<16xi32>
    %broadcast_in_dim3A_314 = vector.broadcast %jit3A_312 : i32 to vector<16xi32>
    %select_n3A_315 = arith.select %unique3A_309, %broadcast_in_dim3A_313, %broadcast_in_dim3A_314 : vector<16xi1>, vector<16xi32>
    %swap3A_316 = arith.constant 256 : index
    %swap3A_317 = tpu.vector_load %arg6[%swap3A_316] {strides = array<i32>} : memref<512xi32, #tpu.memory_space<vmem>>, vector<16xi32>,
    tpu.vector_store %arg6[%swap3A_316], %select_n3A_315 {strides = array<i32>} : memref<512xi32, #tpu.memory_space<vmem>>, vector<16xi32>,
    %mul3A_318 = arith.constant 32 : i32
    %mul3A_319 = arith.muli %arg1, %mul3A_318 : i32
    %add3A_320 = arith.constant 17 : i32
    %add3A_321 = arith.addi %mul3A_319, %add3A_320 : i32
    %mul3A_322 = arith.constant 16 : i32
    %mul3A_323 = arith.muli %add3A_321, %mul3A_322 : i32
    %get3A_324 = arith.index_cast %mul3A_323 : i32 to index
    %get3A_325 = tpu.vector_load %arg4[%get3A_324] {strides = array<i32>} : memref<8192xi32, #tpu.memory_space<vmem>>, vector<16xi32>,
    %broadcast_in_dim3A_326 = arith.constant true
    %broadcast_in_dim3A_327 = vector.broadcast %broadcast_in_dim3A_326 : i1 to vector<16xi1>
    %unique3A_328, %unique3A_329 = tpu.scan_count mask(%broadcast_in_dim3A_327 : vector<16xi1>) value(%get3A_325 : vector<16xi32>) : vector<16xi1>, vector<16xi32>
    %jit3A_330 = arith.constant 1 : i32
    %jit3A_331 = arith.constant 0 : i32
    %broadcast_in_dim3A_332 = vector.broadcast %jit3A_330 : i32 to vector<16xi32>
    %broadcast_in_dim3A_333 = vector.broadcast %jit3A_331 : i32 to vector<16xi32>
    %select_n3A_334 = arith.select %unique3A_328, %broadcast_in_dim3A_332, %broadcast_in_dim3A_333 : vector<16xi1>, vector<16xi32>
    %swap3A_335 = arith.constant 272 : index
    %swap3A_336 = tpu.vector_load %arg6[%swap3A_335] {strides = array<i32>} : memref<512xi32, #tpu.memory_space<vmem>>, vector<16xi32>,
    tpu.vector_store %arg6[%swap3A_335], %select_n3A_334 {strides = array<i32>} : memref<512xi32, #tpu.memory_space<vmem>>, vector<16xi32>,
    %mul3A_337 = arith.constant 32 : i32
    %mul3A_338 = arith.muli %arg1, %mul3A_337 : i32
    %add3A_339 = arith.constant 18 : i32
    %add3A_340 = arith.addi %mul3A_338, %add3A_339 : i32
    %mul3A_341 = arith.constant 16 : i32
    %mul3A_342 = arith.muli %add3A_340, %mul3A_341 : i32
    %get3A_343 = arith.index_cast %mul3A_342 : i32 to index
    %get3A_344 = tpu.vector_load %arg4[%get3A_343] {strides = array<i32>} : memref<8192xi32, #tpu.memory_space<vmem>>, vector<16xi32>,
    %broadcast_in_dim3A_345 = arith.constant true
    %broadcast_in_dim3A_346 = vector.broadcast %broadcast_in_dim3A_345 : i1 to vector<16xi1>
    %unique3A_347, %unique3A_348 = tpu.scan_count mask(%broadcast_in_dim3A_346 : vector<16xi1>) value(%get3A_344 : vector<16xi32>) : vector<16xi1>, vector<16xi32>
    %jit3A_349 = arith.constant 1 : i32
    %jit3A_350 = arith.constant 0 : i32
    %broadcast_in_dim3A_351 = vector.broadcast %jit3A_349 : i32 to vector<16xi32>
    %broadcast_in_dim3A_352 = vector.broadcast %jit3A_350 : i32 to vector<16xi32>
    %select_n3A_353 = arith.select %unique3A_347, %broadcast_in_dim3A_351, %broadcast_in_dim3A_352 : vector<16xi1>, vector<16xi32>
    %swap3A_354 = arith.constant 288 : index
    %swap3A_355 = tpu.vector_load %arg6[%swap3A_354] {strides = array<i32>} : memref<512xi32, #tpu.memory_space<vmem>>, vector<16xi32>,
    tpu.vector_store %arg6[%swap3A_354], %select_n3A_353 {strides = array<i32>} : memref<512xi32, #tpu.memory_space<vmem>>, vector<16xi32>,
    %mul3A_356 = arith.constant 32 : i32
    %mul3A_357 = arith.muli %arg1, %mul3A_356 : i32
    %add3A_358 = arith.constant 19 : i32
    %add3A_359 = arith.addi %mul3A_357, %add3A_358 : i32
    %mul3A_360 = arith.constant 16 : i32
    %mul3A_361 = arith.muli %add3A_359, %mul3A_360 : i32
    %get3A_362 = arith.index_cast %mul3A_361 : i32 to index
    %get3A_363 = tpu.vector_load %arg4[%get3A_362] {strides = array<i32>} : memref<8192xi32, #tpu.memory_space<vmem>>, vector<16xi32>,
    %broadcast_in_dim3A_364 = arith.constant true
    %broadcast_in_dim3A_365 = vector.broadcast %broadcast_in_dim3A_364 : i1 to vector<16xi1>
    %unique3A_366, %unique3A_367 = tpu.scan_count mask(%broadcast_in_dim3A_365 : vector<16xi1>) value(%get3A_363 : vector<16xi32>) : vector<16xi1>, vector<16xi32>
    %jit3A_368 = arith.constant 1 : i32
    %jit3A_369 = arith.constant 0 : i32
    %broadcast_in_dim3A_370 = vector.broadcast %jit3A_368 : i32 to vector<16xi32>
    %broadcast_in_dim3A_371 = vector.broadcast %jit3A_369 : i32 to vector<16xi32>
    %select_n3A_372 = arith.select %unique3A_366, %broadcast_in_dim3A_370, %broadcast_in_dim3A_371 : vector<16xi1>, vector<16xi32>
    %swap3A_373 = arith.constant 304 : index
    %swap3A_374 = tpu.vector_load %arg6[%swap3A_373] {strides = array<i32>} : memref<512xi32, #tpu.memory_space<vmem>>, vector<16xi32>,
    tpu.vector_store %arg6[%swap3A_373], %select_n3A_372 {strides = array<i32>} : memref<512xi32, #tpu.memory_space<vmem>>, vector<16xi32>,
    %mul3A_375 = arith.constant 32 : i32
    %mul3A_376 = arith.muli %arg1, %mul3A_375 : i32
    %add3A_377 = arith.constant 20 : i32
    %add3A_378 = arith.addi %mul3A_376, %add3A_377 : i32
    %mul3A_379 = arith.constant 16 : i32
    %mul3A_380 = arith.muli %add3A_378, %mul3A_379 : i32
    %get3A_381 = arith.index_cast %mul3A_380 : i32 to index
    %get3A_382 = tpu.vector_load %arg4[%get3A_381] {strides = array<i32>} : memref<8192xi32, #tpu.memory_space<vmem>>, vector<16xi32>,
    %broadcast_in_dim3A_383 = arith.constant true
    %broadcast_in_dim3A_384 = vector.broadcast %broadcast_in_dim3A_383 : i1 to vector<16xi1>
    %unique3A_385, %unique3A_386 = tpu.scan_count mask(%broadcast_in_dim3A_384 : vector<16xi1>) value(%get3A_382 : vector<16xi32>) : vector<16xi1>, vector<16xi32>
    %jit3A_387 = arith.constant 1 : i32
    %jit3A_388 = arith.constant 0 : i32
    %broadcast_in_dim3A_389 = vector.broadcast %jit3A_387 : i32 to vector<16xi32>
    %broadcast_in_dim3A_390 = vector.broadcast %jit3A_388 : i32 to vector<16xi32>
    %select_n3A_391 = arith.select %unique3A_385, %broadcast_in_dim3A_389, %broadcast_in_dim3A_390 : vector<16xi1>, vector<16xi32>
    %swap3A_392 = arith.constant 320 : index
    %swap3A_393 = tpu.vector_load %arg6[%swap3A_392] {strides = array<i32>} : memref<512xi32, #tpu.memory_space<vmem>>, vector<16xi32>,
    tpu.vector_store %arg6[%swap3A_392], %select_n3A_391 {strides = array<i32>} : memref<512xi32, #tpu.memory_space<vmem>>, vector<16xi32>,
    %mul3A_394 = arith.constant 32 : i32
    %mul3A_395 = arith.muli %arg1, %mul3A_394 : i32
    %add3A_396 = arith.constant 21 : i32
    %add3A_397 = arith.addi %mul3A_395, %add3A_396 : i32
    %mul3A_398 = arith.constant 16 : i32
    %mul3A_399 = arith.muli %add3A_397, %mul3A_398 : i32
    %get3A_400 = arith.index_cast %mul3A_399 : i32 to index
    %get3A_401 = tpu.vector_load %arg4[%get3A_400] {strides = array<i32>} : memref<8192xi32, #tpu.memory_space<vmem>>, vector<16xi32>,
    %broadcast_in_dim3A_402 = arith.constant true
    %broadcast_in_dim3A_403 = vector.broadcast %broadcast_in_dim3A_402 : i1 to vector<16xi1>
    %unique3A_404, %unique3A_405 = tpu.scan_count mask(%broadcast_in_dim3A_403 : vector<16xi1>) value(%get3A_401 : vector<16xi32>) : vector<16xi1>, vector<16xi32>
    %jit3A_406 = arith.constant 1 : i32
    %jit3A_407 = arith.constant 0 : i32
    %broadcast_in_dim3A_408 = vector.broadcast %jit3A_406 : i32 to vector<16xi32>
    %broadcast_in_dim3A_409 = vector.broadcast %jit3A_407 : i32 to vector<16xi32>
    %select_n3A_410 = arith.select %unique3A_404, %broadcast_in_dim3A_408, %broadcast_in_dim3A_409 : vector<16xi1>, vector<16xi32>
    %swap3A_411 = arith.constant 336 : index
    %swap3A_412 = tpu.vector_load %arg6[%swap3A_411] {strides = array<i32>} : memref<512xi32, #tpu.memory_space<vmem>>, vector<16xi32>,
    tpu.vector_store %arg6[%swap3A_411], %select_n3A_410 {strides = array<i32>} : memref<512xi32, #tpu.memory_space<vmem>>, vector<16xi32>,
    %mul3A_413 = arith.constant 32 : i32
    %mul3A_414 = arith.muli %arg1, %mul3A_413 : i32
    %add3A_415 = arith.constant 22 : i32
    %add3A_416 = arith.addi %mul3A_414, %add3A_415 : i32
    %mul3A_417 = arith.constant 16 : i32
    %mul3A_418 = arith.muli %add3A_416, %mul3A_417 : i32
    %get3A_419 = arith.index_cast %mul3A_418 : i32 to index
    %get3A_420 = tpu.vector_load %arg4[%get3A_419] {strides = array<i32>} : memref<8192xi32, #tpu.memory_space<vmem>>, vector<16xi32>,
    %broadcast_in_dim3A_421 = arith.constant true
    %broadcast_in_dim3A_422 = vector.broadcast %broadcast_in_dim3A_421 : i1 to vector<16xi1>
    %unique3A_423, %unique3A_424 = tpu.scan_count mask(%broadcast_in_dim3A_422 : vector<16xi1>) value(%get3A_420 : vector<16xi32>) : vector<16xi1>, vector<16xi32>
    %jit3A_425 = arith.constant 1 : i32
    %jit3A_426 = arith.constant 0 : i32
    %broadcast_in_dim3A_427 = vector.broadcast %jit3A_425 : i32 to vector<16xi32>
    %broadcast_in_dim3A_428 = vector.broadcast %jit3A_426 : i32 to vector<16xi32>
    %select_n3A_429 = arith.select %unique3A_423, %broadcast_in_dim3A_427, %broadcast_in_dim3A_428 : vector<16xi1>, vector<16xi32>
    %swap3A_430 = arith.constant 352 : index
    %swap3A_431 = tpu.vector_load %arg6[%swap3A_430] {strides = array<i32>} : memref<512xi32, #tpu.memory_space<vmem>>, vector<16xi32>,
    tpu.vector_store %arg6[%swap3A_430], %select_n3A_429 {strides = array<i32>} : memref<512xi32, #tpu.memory_space<vmem>>, vector<16xi32>,
    %mul3A_432 = arith.constant 32 : i32
    %mul3A_433 = arith.muli %arg1, %mul3A_432 : i32
    %add3A_434 = arith.constant 23 : i32
    %add3A_435 = arith.addi %mul3A_433, %add3A_434 : i32
    %mul3A_436 = arith.constant 16 : i32
    %mul3A_437 = arith.muli %add3A_435, %mul3A_436 : i32
    %get3A_438 = arith.index_cast %mul3A_437 : i32 to index
    %get3A_439 = tpu.vector_load %arg4[%get3A_438] {strides = array<i32>} : memref<8192xi32, #tpu.memory_space<vmem>>, vector<16xi32>,
    %broadcast_in_dim3A_440 = arith.constant true
    %broadcast_in_dim3A_441 = vector.broadcast %broadcast_in_dim3A_440 : i1 to vector<16xi1>
    %unique3A_442, %unique3A_443 = tpu.scan_count mask(%broadcast_in_dim3A_441 : vector<16xi1>) value(%get3A_439 : vector<16xi32>) : vector<16xi1>, vector<16xi32>
    %jit3A_444 = arith.constant 1 : i32
    %jit3A_445 = arith.constant 0 : i32
    %broadcast_in_dim3A_446 = vector.broadcast %jit3A_444 : i32 to vector<16xi32>
    %broadcast_in_dim3A_447 = vector.broadcast %jit3A_445 : i32 to vector<16xi32>
    %select_n3A_448 = arith.select %unique3A_442, %broadcast_in_dim3A_446, %broadcast_in_dim3A_447 : vector<16xi1>, vector<16xi32>
    %swap3A_449 = arith.constant 368 : index
    %swap3A_450 = tpu.vector_load %arg6[%swap3A_449] {strides = array<i32>} : memref<512xi32, #tpu.memory_space<vmem>>, vector<16xi32>,
    tpu.vector_store %arg6[%swap3A_449], %select_n3A_448 {strides = array<i32>} : memref<512xi32, #tpu.memory_space<vmem>>, vector<16xi32>,
    %mul3A_451 = arith.constant 32 : i32
    %mul3A_452 = arith.muli %arg1, %mul3A_451 : i32
    %add3A_453 = arith.constant 24 : i32
    %add3A_454 = arith.addi %mul3A_452, %add3A_453 : i32
    %mul3A_455 = arith.constant 16 : i32
    %mul3A_456 = arith.muli %add3A_454, %mul3A_455 : i32
    %get3A_457 = arith.index_cast %mul3A_456 : i32 to index
    %get3A_458 = tpu.vector_load %arg4[%get3A_457] {strides = array<i32>} : memref<8192xi32, #tpu.memory_space<vmem>>, vector<16xi32>,
    %broadcast_in_dim3A_459 = arith.constant true
    %broadcast_in_dim3A_460 = vector.broadcast %broadcast_in_dim3A_459 : i1 to vector<16xi1>
    %unique3A_461, %unique3A_462 = tpu.scan_count mask(%broadcast_in_dim3A_460 : vector<16xi1>) value(%get3A_458 : vector<16xi32>) : vector<16xi1>, vector<16xi32>
    %jit3A_463 = arith.constant 1 : i32
    %jit3A_464 = arith.constant 0 : i32
    %broadcast_in_dim3A_465 = vector.broadcast %jit3A_463 : i32 to vector<16xi32>
    %broadcast_in_dim3A_466 = vector.broadcast %jit3A_464 : i32 to vector<16xi32>
    %select_n3A_467 = arith.select %unique3A_461, %broadcast_in_dim3A_465, %broadcast_in_dim3A_466 : vector<16xi1>, vector<16xi32>
    %swap3A_468 = arith.constant 384 : index
    %swap3A_469 = tpu.vector_load %arg6[%swap3A_468] {strides = array<i32>} : memref<512xi32, #tpu.memory_space<vmem>>, vector<16xi32>,
    tpu.vector_store %arg6[%swap3A_468], %select_n3A_467 {strides = array<i32>} : memref<512xi32, #tpu.memory_space<vmem>>, vector<16xi32>,
    %mul3A_470 = arith.constant 32 : i32
    %mul3A_471 = arith.muli %arg1, %mul3A_470 : i32
    %add3A_472 = arith.constant 25 : i32
    %add3A_473 = arith.addi %mul3A_471, %add3A_472 : i32
    %mul3A_474 = arith.constant 16 : i32
    %mul3A_475 = arith.muli %add3A_473, %mul3A_474 : i32
    %get3A_476 = arith.index_cast %mul3A_475 : i32 to index
    %get3A_477 = tpu.vector_load %arg4[%get3A_476] {strides = array<i32>} : memref<8192xi32, #tpu.memory_space<vmem>>, vector<16xi32>,
    %broadcast_in_dim3A_478 = arith.constant true
    %broadcast_in_dim3A_479 = vector.broadcast %broadcast_in_dim3A_478 : i1 to vector<16xi1>
    %unique3A_480, %unique3A_481 = tpu.scan_count mask(%broadcast_in_dim3A_479 : vector<16xi1>) value(%get3A_477 : vector<16xi32>) : vector<16xi1>, vector<16xi32>
    %jit3A_482 = arith.constant 1 : i32
    %jit3A_483 = arith.constant 0 : i32
    %broadcast_in_dim3A_484 = vector.broadcast %jit3A_482 : i32 to vector<16xi32>
    %broadcast_in_dim3A_485 = vector.broadcast %jit3A_483 : i32 to vector<16xi32>
    %select_n3A_486 = arith.select %unique3A_480, %broadcast_in_dim3A_484, %broadcast_in_dim3A_485 : vector<16xi1>, vector<16xi32>
    %swap3A_487 = arith.constant 400 : index
    %swap3A_488 = tpu.vector_load %arg6[%swap3A_487] {strides = array<i32>} : memref<512xi32, #tpu.memory_space<vmem>>, vector<16xi32>,
    tpu.vector_store %arg6[%swap3A_487], %select_n3A_486 {strides = array<i32>} : memref<512xi32, #tpu.memory_space<vmem>>, vector<16xi32>,
    %mul3A_489 = arith.constant 32 : i32
    %mul3A_490 = arith.muli %arg1, %mul3A_489 : i32
    %add3A_491 = arith.constant 26 : i32
    %add3A_492 = arith.addi %mul3A_490, %add3A_491 : i32
    %mul3A_493 = arith.constant 16 : i32
    %mul3A_494 = arith.muli %add3A_492, %mul3A_493 : i32
    %get3A_495 = arith.index_cast %mul3A_494 : i32 to index
    %get3A_496 = tpu.vector_load %arg4[%get3A_495] {strides = array<i32>} : memref<8192xi32, #tpu.memory_space<vmem>>, vector<16xi32>,
    %broadcast_in_dim3A_497 = arith.constant true
    %broadcast_in_dim3A_498 = vector.broadcast %broadcast_in_dim3A_497 : i1 to vector<16xi1>
    %unique3A_499, %unique3A_500 = tpu.scan_count mask(%broadcast_in_dim3A_498 : vector<16xi1>) value(%get3A_496 : vector<16xi32>) : vector<16xi1>, vector<16xi32>
    %jit3A_501 = arith.constant 1 : i32
    %jit3A_502 = arith.constant 0 : i32
    %broadcast_in_dim3A_503 = vector.broadcast %jit3A_501 : i32 to vector<16xi32>
    %broadcast_in_dim3A_504 = vector.broadcast %jit3A_502 : i32 to vector<16xi32>
    %select_n3A_505 = arith.select %unique3A_499, %broadcast_in_dim3A_503, %broadcast_in_dim3A_504 : vector<16xi1>, vector<16xi32>
    %swap3A_506 = arith.constant 416 : index
    %swap3A_507 = tpu.vector_load %arg6[%swap3A_506] {strides = array<i32>} : memref<512xi32, #tpu.memory_space<vmem>>, vector<16xi32>,
    tpu.vector_store %arg6[%swap3A_506], %select_n3A_505 {strides = array<i32>} : memref<512xi32, #tpu.memory_space<vmem>>, vector<16xi32>,
    %mul3A_508 = arith.constant 32 : i32
    %mul3A_509 = arith.muli %arg1, %mul3A_508 : i32
    %add3A_510 = arith.constant 27 : i32
    %add3A_511 = arith.addi %mul3A_509, %add3A_510 : i32
    %mul3A_512 = arith.constant 16 : i32
    %mul3A_513 = arith.muli %add3A_511, %mul3A_512 : i32
    %get3A_514 = arith.index_cast %mul3A_513 : i32 to index
    %get3A_515 = tpu.vector_load %arg4[%get3A_514] {strides = array<i32>} : memref<8192xi32, #tpu.memory_space<vmem>>, vector<16xi32>,
    %broadcast_in_dim3A_516 = arith.constant true
    %broadcast_in_dim3A_517 = vector.broadcast %broadcast_in_dim3A_516 : i1 to vector<16xi1>
    %unique3A_518, %unique3A_519 = tpu.scan_count mask(%broadcast_in_dim3A_517 : vector<16xi1>) value(%get3A_515 : vector<16xi32>) : vector<16xi1>, vector<16xi32>
    %jit3A_520 = arith.constant 1 : i32
    %jit3A_521 = arith.constant 0 : i32
    %broadcast_in_dim3A_522 = vector.broadcast %jit3A_520 : i32 to vector<16xi32>
    %broadcast_in_dim3A_523 = vector.broadcast %jit3A_521 : i32 to vector<16xi32>
    %select_n3A_524 = arith.select %unique3A_518, %broadcast_in_dim3A_522, %broadcast_in_dim3A_523 : vector<16xi1>, vector<16xi32>
    %swap3A_525 = arith.constant 432 : index
    %swap3A_526 = tpu.vector_load %arg6[%swap3A_525] {strides = array<i32>} : memref<512xi32, #tpu.memory_space<vmem>>, vector<16xi32>,
    tpu.vector_store %arg6[%swap3A_525], %select_n3A_524 {strides = array<i32>} : memref<512xi32, #tpu.memory_space<vmem>>, vector<16xi32>,
    %mul3A_527 = arith.constant 32 : i32
    %mul3A_528 = arith.muli %arg1, %mul3A_527 : i32
    %add3A_529 = arith.constant 28 : i32
    %add3A_530 = arith.addi %mul3A_528, %add3A_529 : i32
    %mul3A_531 = arith.constant 16 : i32
    %mul3A_532 = arith.muli %add3A_530, %mul3A_531 : i32
    %get3A_533 = arith.index_cast %mul3A_532 : i32 to index
    %get3A_534 = tpu.vector_load %arg4[%get3A_533] {strides = array<i32>} : memref<8192xi32, #tpu.memory_space<vmem>>, vector<16xi32>,
    %broadcast_in_dim3A_535 = arith.constant true
    %broadcast_in_dim3A_536 = vector.broadcast %broadcast_in_dim3A_535 : i1 to vector<16xi1>
    %unique3A_537, %unique3A_538 = tpu.scan_count mask(%broadcast_in_dim3A_536 : vector<16xi1>) value(%get3A_534 : vector<16xi32>) : vector<16xi1>, vector<16xi32>
    %jit3A_539 = arith.constant 1 : i32
    %jit3A_540 = arith.constant 0 : i32
    %broadcast_in_dim3A_541 = vector.broadcast %jit3A_539 : i32 to vector<16xi32>
    %broadcast_in_dim3A_542 = vector.broadcast %jit3A_540 : i32 to vector<16xi32>
    %select_n3A_543 = arith.select %unique3A_537, %broadcast_in_dim3A_541, %broadcast_in_dim3A_542 : vector<16xi1>, vector<16xi32>
    %swap3A_544 = arith.constant 448 : index
    %swap3A_545 = tpu.vector_load %arg6[%swap3A_544] {strides = array<i32>} : memref<512xi32, #tpu.memory_space<vmem>>, vector<16xi32>,
    tpu.vector_store %arg6[%swap3A_544], %select_n3A_543 {strides = array<i32>} : memref<512xi32, #tpu.memory_space<vmem>>, vector<16xi32>,
    %mul3A_546 = arith.constant 32 : i32
    %mul3A_547 = arith.muli %arg1, %mul3A_546 : i32
    %add3A_548 = arith.constant 29 : i32
    %add3A_549 = arith.addi %mul3A_547, %add3A_548 : i32
    %mul3A_550 = arith.constant 16 : i32
    %mul3A_551 = arith.muli %add3A_549, %mul3A_550 : i32
    %get3A_552 = arith.index_cast %mul3A_551 : i32 to index
    %get3A_553 = tpu.vector_load %arg4[%get3A_552] {strides = array<i32>} : memref<8192xi32, #tpu.memory_space<vmem>>, vector<16xi32>,
    %broadcast_in_dim3A_554 = arith.constant true
    %broadcast_in_dim3A_555 = vector.broadcast %broadcast_in_dim3A_554 : i1 to vector<16xi1>
    %unique3A_556, %unique3A_557 = tpu.scan_count mask(%broadcast_in_dim3A_555 : vector<16xi1>) value(%get3A_553 : vector<16xi32>) : vector<16xi1>, vector<16xi32>
    %jit3A_558 = arith.constant 1 : i32
    %jit3A_559 = arith.constant 0 : i32
    %broadcast_in_dim3A_560 = vector.broadcast %jit3A_558 : i32 to vector<16xi32>
    %broadcast_in_dim3A_561 = vector.broadcast %jit3A_559 : i32 to vector<16xi32>
    %select_n3A_562 = arith.select %unique3A_556, %broadcast_in_dim3A_560, %broadcast_in_dim3A_561 : vector<16xi1>, vector<16xi32>
    %swap3A_563 = arith.constant 464 : index
    %swap3A_564 = tpu.vector_load %arg6[%swap3A_563] {strides = array<i32>} : memref<512xi32, #tpu.memory_space<vmem>>, vector<16xi32>,
    tpu.vector_store %arg6[%swap3A_563], %select_n3A_562 {strides = array<i32>} : memref<512xi32, #tpu.memory_space<vmem>>, vector<16xi32>,
    %mul3A_565 = arith.constant 32 : i32
    %mul3A_566 = arith.muli %arg1, %mul3A_565 : i32
    %add3A_567 = arith.constant 30 : i32
    %add3A_568 = arith.addi %mul3A_566, %add3A_567 : i32
    %mul3A_569 = arith.constant 16 : i32
    %mul3A_570 = arith.muli %add3A_568, %mul3A_569 : i32
    %get3A_571 = arith.index_cast %mul3A_570 : i32 to index
    %get3A_572 = tpu.vector_load %arg4[%get3A_571] {strides = array<i32>} : memref<8192xi32, #tpu.memory_space<vmem>>, vector<16xi32>,
    %broadcast_in_dim3A_573 = arith.constant true
    %broadcast_in_dim3A_574 = vector.broadcast %broadcast_in_dim3A_573 : i1 to vector<16xi1>
    %unique3A_575, %unique3A_576 = tpu.scan_count mask(%broadcast_in_dim3A_574 : vector<16xi1>) value(%get3A_572 : vector<16xi32>) : vector<16xi1>, vector<16xi32>
    %jit3A_577 = arith.constant 1 : i32
    %jit3A_578 = arith.constant 0 : i32
    %broadcast_in_dim3A_579 = vector.broadcast %jit3A_577 : i32 to vector<16xi32>
    %broadcast_in_dim3A_580 = vector.broadcast %jit3A_578 : i32 to vector<16xi32>
    %select_n3A_581 = arith.select %unique3A_575, %broadcast_in_dim3A_579, %broadcast_in_dim3A_580 : vector<16xi1>, vector<16xi32>
    %swap3A_582 = arith.constant 480 : index
    %swap3A_583 = tpu.vector_load %arg6[%swap3A_582] {strides = array<i32>} : memref<512xi32, #tpu.memory_space<vmem>>, vector<16xi32>,
    tpu.vector_store %arg6[%swap3A_582], %select_n3A_581 {strides = array<i32>} : memref<512xi32, #tpu.memory_space<vmem>>, vector<16xi32>,
    %mul3A_584 = arith.constant 32 : i32
    %mul3A_585 = arith.muli %arg1, %mul3A_584 : i32
    %add3A_586 = arith.constant 31 : i32
    %add3A_587 = arith.addi %mul3A_585, %add3A_586 : i32
    %mul3A_588 = arith.constant 16 : i32
    %mul3A_589 = arith.muli %add3A_587, %mul3A_588 : i32
    %get3A_590 = arith.index_cast %mul3A_589 : i32 to index
    %get3A_591 = tpu.vector_load %arg4[%get3A_590] {strides = array<i32>} : memref<8192xi32, #tpu.memory_space<vmem>>, vector<16xi32>,
    %broadcast_in_dim3A_592 = arith.constant true
    %broadcast_in_dim3A_593 = vector.broadcast %broadcast_in_dim3A_592 : i1 to vector<16xi1>
    %unique3A_594, %unique3A_595 = tpu.scan_count mask(%broadcast_in_dim3A_593 : vector<16xi1>) value(%get3A_591 : vector<16xi32>) : vector<16xi1>, vector<16xi32>
    %jit3A_596 = arith.constant 1 : i32
    %jit3A_597 = arith.constant 0 : i32
    %broadcast_in_dim3A_598 = vector.broadcast %jit3A_596 : i32 to vector<16xi32>
    %broadcast_in_dim3A_599 = vector.broadcast %jit3A_597 : i32 to vector<16xi32>
    %select_n3A_600 = arith.select %unique3A_594, %broadcast_in_dim3A_598, %broadcast_in_dim3A_599 : vector<16xi1>, vector<16xi32>
    %swap3A_601 = arith.constant 496 : index
    %swap3A_602 = tpu.vector_load %arg6[%swap3A_601] {strides = array<i32>} : memref<512xi32, #tpu.memory_space<vmem>>, vector<16xi32>,
    tpu.vector_store %arg6[%swap3A_601], %select_n3A_600 {strides = array<i32>} : memref<512xi32, #tpu.memory_space<vmem>>, vector<16xi32>,
    %mul3A_603 = arith.constant 32 : i32
    %mul3A_604 = arith.muli %arg1, %mul3A_603 : i32
    %mul3A_605 = arith.constant 16 : i32
    %mul3A_606 = arith.muli %mul3A_604, %mul3A_605 : i32
    "tpu.region"() ({
      %run_scoped3A = tpu.sem_alloc : memref<!tpu.dma_semaphore, #tpu.memory_space<semaphore_mem>>
      %dma_start3A = tpu.memref_slice %arg9[%mul3A_606] : memref<8192xi32, #tpu.memory_space<vmem_shared>> -> memref<512xi32, #tpu.memory_space<vmem_shared>>
      %dma_start3A_620 = tpu.memref_slice %arg9[%mul3A_606] : memref<8192xi32, #tpu.memory_space<vmem_shared>> -> memref<512xi32, #tpu.memory_space<vmem_shared>>
      tpu.enqueue_dma source(%arg6 : memref<512xi32, #tpu.memory_space<vmem>>) target(%dma_start3A_620 : memref<512xi32, #tpu.memory_space<vmem_shared>>) target_semaphore(%run_scoped3A : memref<!tpu.dma_semaphore, #tpu.memory_space<semaphore_mem>>)
      %dma_wait3A = tpu.memref_slice %arg9[%mul3A_606] : memref<8192xi32, #tpu.memory_space<vmem_shared>> -> memref<512xi32, #tpu.memory_space<vmem_shared>>
      %dma_wait3A_621 = tpu.memref_slice %arg9[%mul3A_606] : memref<8192xi32, #tpu.memory_space<vmem_shared>> -> memref<512xi32, #tpu.memory_space<vmem_shared>>
      tpu.wait_dma2 semaphore(%run_scoped3A : memref<!tpu.dma_semaphore, #tpu.memory_space<semaphore_mem>>) src(%arg6 : memref<512xi32, #tpu.memory_space<vmem>>) dst(%dma_wait3A_621 : memref<512xi32, #tpu.memory_space<vmem_shared>>)
      tpu.yield
    }) : () -> ()
    %barrier3A = arith.constant 0 : index
    tpu.barrier barrier_id(%barrier3A)
    "tpu.region"() ({
      %run_scoped3A = tpu.sem_alloc : memref<!tpu.dma_semaphore, #tpu.memory_space<semaphore_mem>>
      tpu.enqueue_dma source(%arg9 : memref<8192xi32, #tpu.memory_space<vmem_shared>>) target(%arg7 : memref<8192xi32, #tpu.memory_space<vmem>>) target_semaphore(%run_scoped3A : memref<!tpu.dma_semaphore, #tpu.memory_space<semaphore_mem>>)
      tpu.wait_dma2 semaphore(%run_scoped3A : memref<!tpu.dma_semaphore, #tpu.memory_space<semaphore_mem>>) src(%arg9 : memref<8192xi32, #tpu.memory_space<vmem_shared>>) dst(%arg7 : memref<8192xi32, #tpu.memory_space<vmem>>)
      tpu.yield
    }) : () -> ()
    %scan3A = arith.constant 0 : i32
    %scan3A_607 = arith.constant 0 : i32
    %scan3A_608 = arith.constant 32 : i32
    %scan3A_609 = arith.addi %scan3A_607, %scan3A_608 : i32
    %scan3A_610 = arith.constant 1 : i32
    scf.for %scan3A_620 = %scan3A_607 to %scan3A_609 step %scan3A_610  : i32 {
      %mul3A_621 = arith.constant 16 : i32
      %mul3A_622 = arith.muli %scan3A_620, %mul3A_621 : i32
      %add3A_623 = arith.constant 0 : i32
      %add3A_624 = arith.addi %mul3A_622, %add3A_623 : i32
      %mul3A_625 = arith.constant 16 : i32
      %mul3A_626 = arith.muli %add3A_624, %mul3A_625 : i32
      %get3A_627 = arith.index_cast %mul3A_626 : i32 to index
      %get3A_628 = tpu.vector_load %arg4[%get3A_627] {strides = array<i32>} : memref<8192xi32, #tpu.memory_space<vmem>>, vector<16xi32>,
      %mul3A_629 = arith.constant 16 : i32
      %mul3A_630 = arith.muli %add3A_624, %mul3A_629 : i32
      %get3A_631 = arith.index_cast %mul3A_630 : i32 to index
      %get3A_632 = tpu.vector_load %arg7[%get3A_631] {strides = array<i32>} : memref<8192xi32, #tpu.memory_space<vmem>>, vector<16xi32>,
      %ne3A = arith.constant 0 : i32
      %ne3A_633 = vector.broadcast %ne3A : i32 to vector<16xi32>
      %ne3A_634 = arith.cmpi ne, %get3A_632, %ne3A_633 : vector<16xi32>
      %mul3A_635 = arith.constant 16 : i32
      %mul3A_636 = arith.muli %add3A_624, %mul3A_635 : i32
      %add3A_637 = vector.broadcast %mul3A_636 : i32 to vector<16xi32>
      %add3A_638 = arith.addi %add3A_637, %iota3A : vector<16xi32>
      tpu.vector_store_idx %arg5[%get3A_628], %add3A_638 masked %ne3A_634 : memref<65536xi32, #tpu.memory_space<vmem>>[vector<16xi32>], vector<16xi32>, vector<16xi1>
      %mul3A_639 = arith.constant 16 : i32
      %mul3A_640 = arith.muli %scan3A_620, %mul3A_639 : i32
      %add3A_641 = arith.constant 1 : i32
      %add3A_642 = arith.addi %mul3A_640, %add3A_641 : i32
      %mul3A_643 = arith.constant 16 : i32
      %mul3A_644 = arith.muli %add3A_642, %mul3A_643 : i32
      %get3A_645 = arith.index_cast %mul3A_644 : i32 to index
      %get3A_646 = tpu.vector_load %arg4[%get3A_645] {strides = array<i32>} : memref<8192xi32, #tpu.memory_space<vmem>>, vector<16xi32>,
      %mul3A_647 = arith.constant 16 : i32
      %mul3A_648 = arith.muli %add3A_642, %mul3A_647 : i32
      %get3A_649 = arith.index_cast %mul3A_648 : i32 to index
      %get3A_650 = tpu.vector_load %arg7[%get3A_649] {strides = array<i32>} : memref<8192xi32, #tpu.memory_space<vmem>>, vector<16xi32>,
      %ne3A_651 = arith.constant 0 : i32
      %ne3A_652 = vector.broadcast %ne3A_651 : i32 to vector<16xi32>
      %ne3A_653 = arith.cmpi ne, %get3A_650, %ne3A_652 : vector<16xi32>
      %mul3A_654 = arith.constant 16 : i32
      %mul3A_655 = arith.muli %add3A_642, %mul3A_654 : i32
      %add3A_656 = vector.broadcast %mul3A_655 : i32 to vector<16xi32>
      %add3A_657 = arith.addi %add3A_656, %iota3A : vector<16xi32>
      tpu.vector_store_idx %arg5[%get3A_646], %add3A_657 masked %ne3A_653 : memref<65536xi32, #tpu.memory_space<vmem>>[vector<16xi32>], vector<16xi32>, vector<16xi1>
      %mul3A_658 = arith.constant 16 : i32
      %mul3A_659 = arith.muli %scan3A_620, %mul3A_658 : i32
      %add3A_660 = arith.constant 2 : i32
      %add3A_661 = arith.addi %mul3A_659, %add3A_660 : i32
      %mul3A_662 = arith.constant 16 : i32
      %mul3A_663 = arith.muli %add3A_661, %mul3A_662 : i32
      %get3A_664 = arith.index_cast %mul3A_663 : i32 to index
      %get3A_665 = tpu.vector_load %arg4[%get3A_664] {strides = array<i32>} : memref<8192xi32, #tpu.memory_space<vmem>>, vector<16xi32>,
      %mul3A_666 = arith.constant 16 : i32
      %mul3A_667 = arith.muli %add3A_661, %mul3A_666 : i32
      %get3A_668 = arith.index_cast %mul3A_667 : i32 to index
      %get3A_669 = tpu.vector_load %arg7[%get3A_668] {strides = array<i32>} : memref<8192xi32, #tpu.memory_space<vmem>>, vector<16xi32>,
      %ne3A_670 = arith.constant 0 : i32
      %ne3A_671 = vector.broadcast %ne3A_670 : i32 to vector<16xi32>
      %ne3A_672 = arith.cmpi ne, %get3A_669, %ne3A_671 : vector<16xi32>
      %mul3A_673 = arith.constant 16 : i32
      %mul3A_674 = arith.muli %add3A_661, %mul3A_673 : i32
      %add3A_675 = vector.broadcast %mul3A_674 : i32 to vector<16xi32>
      %add3A_676 = arith.addi %add3A_675, %iota3A : vector<16xi32>
      tpu.vector_store_idx %arg5[%get3A_665], %add3A_676 masked %ne3A_672 : memref<65536xi32, #tpu.memory_space<vmem>>[vector<16xi32>], vector<16xi32>, vector<16xi1>
      %mul3A_677 = arith.constant 16 : i32
      %mul3A_678 = arith.muli %scan3A_620, %mul3A_677 : i32
      %add3A_679 = arith.constant 3 : i32
      %add3A_680 = arith.addi %mul3A_678, %add3A_679 : i32
      %mul3A_681 = arith.constant 16 : i32
      %mul3A_682 = arith.muli %add3A_680, %mul3A_681 : i32
      %get3A_683 = arith.index_cast %mul3A_682 : i32 to index
      %get3A_684 = tpu.vector_load %arg4[%get3A_683] {strides = array<i32>} : memref<8192xi32, #tpu.memory_space<vmem>>, vector<16xi32>,
      %mul3A_685 = arith.constant 16 : i32
      %mul3A_686 = arith.muli %add3A_680, %mul3A_685 : i32
      %get3A_687 = arith.index_cast %mul3A_686 : i32 to index
      %get3A_688 = tpu.vector_load %arg7[%get3A_687] {strides = array<i32>} : memref<8192xi32, #tpu.memory_space<vmem>>, vector<16xi32>,
      %ne3A_689 = arith.constant 0 : i32
      %ne3A_690 = vector.broadcast %ne3A_689 : i32 to vector<16xi32>
      %ne3A_691 = arith.cmpi ne, %get3A_688, %ne3A_690 : vector<16xi32>
      %mul3A_692 = arith.constant 16 : i32
      %mul3A_693 = arith.muli %add3A_680, %mul3A_692 : i32
      %add3A_694 = vector.broadcast %mul3A_693 : i32 to vector<16xi32>
      %add3A_695 = arith.addi %add3A_694, %iota3A : vector<16xi32>
      tpu.vector_store_idx %arg5[%get3A_684], %add3A_695 masked %ne3A_691 : memref<65536xi32, #tpu.memory_space<vmem>>[vector<16xi32>], vector<16xi32>, vector<16xi1>
      %mul3A_696 = arith.constant 16 : i32
      %mul3A_697 = arith.muli %scan3A_620, %mul3A_696 : i32
      %add3A_698 = arith.constant 4 : i32
      %add3A_699 = arith.addi %mul3A_697, %add3A_698 : i32
      %mul3A_700 = arith.constant 16 : i32
      %mul3A_701 = arith.muli %add3A_699, %mul3A_700 : i32
      %get3A_702 = arith.index_cast %mul3A_701 : i32 to index
      %get3A_703 = tpu.vector_load %arg4[%get3A_702] {strides = array<i32>} : memref<8192xi32, #tpu.memory_space<vmem>>, vector<16xi32>,
      %mul3A_704 = arith.constant 16 : i32
      %mul3A_705 = arith.muli %add3A_699, %mul3A_704 : i32
      %get3A_706 = arith.index_cast %mul3A_705 : i32 to index
      %get3A_707 = tpu.vector_load %arg7[%get3A_706] {strides = array<i32>} : memref<8192xi32, #tpu.memory_space<vmem>>, vector<16xi32>,
      %ne3A_708 = arith.constant 0 : i32
      %ne3A_709 = vector.broadcast %ne3A_708 : i32 to vector<16xi32>
      %ne3A_710 = arith.cmpi ne, %get3A_707, %ne3A_709 : vector<16xi32>
      %mul3A_711 = arith.constant 16 : i32
      %mul3A_712 = arith.muli %add3A_699, %mul3A_711 : i32
      %add3A_713 = vector.broadcast %mul3A_712 : i32 to vector<16xi32>
      %add3A_714 = arith.addi %add3A_713, %iota3A : vector<16xi32>
      tpu.vector_store_idx %arg5[%get3A_703], %add3A_714 masked %ne3A_710 : memref<65536xi32, #tpu.memory_space<vmem>>[vector<16xi32>], vector<16xi32>, vector<16xi1>
      %mul3A_715 = arith.constant 16 : i32
      %mul3A_716 = arith.muli %scan3A_620, %mul3A_715 : i32
      %add3A_717 = arith.constant 5 : i32
      %add3A_718 = arith.addi %mul3A_716, %add3A_717 : i32
      %mul3A_719 = arith.constant 16 : i32
      %mul3A_720 = arith.muli %add3A_718, %mul3A_719 : i32
      %get3A_721 = arith.index_cast %mul3A_720 : i32 to index
      %get3A_722 = tpu.vector_load %arg4[%get3A_721] {strides = array<i32>} : memref<8192xi32, #tpu.memory_space<vmem>>, vector<16xi32>,
      %mul3A_723 = arith.constant 16 : i32
      %mul3A_724 = arith.muli %add3A_718, %mul3A_723 : i32
      %get3A_725 = arith.index_cast %mul3A_724 : i32 to index
      %get3A_726 = tpu.vector_load %arg7[%get3A_725] {strides = array<i32>} : memref<8192xi32, #tpu.memory_space<vmem>>, vector<16xi32>,
      %ne3A_727 = arith.constant 0 : i32
      %ne3A_728 = vector.broadcast %ne3A_727 : i32 to vector<16xi32>
      %ne3A_729 = arith.cmpi ne, %get3A_726, %ne3A_728 : vector<16xi32>
      %mul3A_730 = arith.constant 16 : i32
      %mul3A_731 = arith.muli %add3A_718, %mul3A_730 : i32
      %add3A_732 = vector.broadcast %mul3A_731 : i32 to vector<16xi32>
      %add3A_733 = arith.addi %add3A_732, %iota3A : vector<16xi32>
      tpu.vector_store_idx %arg5[%get3A_722], %add3A_733 masked %ne3A_729 : memref<65536xi32, #tpu.memory_space<vmem>>[vector<16xi32>], vector<16xi32>, vector<16xi1>
      %mul3A_734 = arith.constant 16 : i32
      %mul3A_735 = arith.muli %scan3A_620, %mul3A_734 : i32
      %add3A_736 = arith.constant 6 : i32
      %add3A_737 = arith.addi %mul3A_735, %add3A_736 : i32
      %mul3A_738 = arith.constant 16 : i32
      %mul3A_739 = arith.muli %add3A_737, %mul3A_738 : i32
      %get3A_740 = arith.index_cast %mul3A_739 : i32 to index
      %get3A_741 = tpu.vector_load %arg4[%get3A_740] {strides = array<i32>} : memref<8192xi32, #tpu.memory_space<vmem>>, vector<16xi32>,
      %mul3A_742 = arith.constant 16 : i32
      %mul3A_743 = arith.muli %add3A_737, %mul3A_742 : i32
      %get3A_744 = arith.index_cast %mul3A_743 : i32 to index
      %get3A_745 = tpu.vector_load %arg7[%get3A_744] {strides = array<i32>} : memref<8192xi32, #tpu.memory_space<vmem>>, vector<16xi32>,
      %ne3A_746 = arith.constant 0 : i32
      %ne3A_747 = vector.broadcast %ne3A_746 : i32 to vector<16xi32>
      %ne3A_748 = arith.cmpi ne, %get3A_745, %ne3A_747 : vector<16xi32>
      %mul3A_749 = arith.constant 16 : i32
      %mul3A_750 = arith.muli %add3A_737, %mul3A_749 : i32
      %add3A_751 = vector.broadcast %mul3A_750 : i32 to vector<16xi32>
      %add3A_752 = arith.addi %add3A_751, %iota3A : vector<16xi32>
      tpu.vector_store_idx %arg5[%get3A_741], %add3A_752 masked %ne3A_748 : memref<65536xi32, #tpu.memory_space<vmem>>[vector<16xi32>], vector<16xi32>, vector<16xi1>
      %mul3A_753 = arith.constant 16 : i32
      %mul3A_754 = arith.muli %scan3A_620, %mul3A_753 : i32
      %add3A_755 = arith.constant 7 : i32
      %add3A_756 = arith.addi %mul3A_754, %add3A_755 : i32
      %mul3A_757 = arith.constant 16 : i32
      %mul3A_758 = arith.muli %add3A_756, %mul3A_757 : i32
      %get3A_759 = arith.index_cast %mul3A_758 : i32 to index
      %get3A_760 = tpu.vector_load %arg4[%get3A_759] {strides = array<i32>} : memref<8192xi32, #tpu.memory_space<vmem>>, vector<16xi32>,
      %mul3A_761 = arith.constant 16 : i32
      %mul3A_762 = arith.muli %add3A_756, %mul3A_761 : i32
      %get3A_763 = arith.index_cast %mul3A_762 : i32 to index
      %get3A_764 = tpu.vector_load %arg7[%get3A_763] {strides = array<i32>} : memref<8192xi32, #tpu.memory_space<vmem>>, vector<16xi32>,
      %ne3A_765 = arith.constant 0 : i32
      %ne3A_766 = vector.broadcast %ne3A_765 : i32 to vector<16xi32>
      %ne3A_767 = arith.cmpi ne, %get3A_764, %ne3A_766 : vector<16xi32>
      %mul3A_768 = arith.constant 16 : i32
      %mul3A_769 = arith.muli %add3A_756, %mul3A_768 : i32
      %add3A_770 = vector.broadcast %mul3A_769 : i32 to vector<16xi32>
      %add3A_771 = arith.addi %add3A_770, %iota3A : vector<16xi32>
      tpu.vector_store_idx %arg5[%get3A_760], %add3A_771 masked %ne3A_767 : memref<65536xi32, #tpu.memory_space<vmem>>[vector<16xi32>], vector<16xi32>, vector<16xi1>
      %mul3A_772 = arith.constant 16 : i32
      %mul3A_773 = arith.muli %scan3A_620, %mul3A_772 : i32
      %add3A_774 = arith.constant 8 : i32
      %add3A_775 = arith.addi %mul3A_773, %add3A_774 : i32
      %mul3A_776 = arith.constant 16 : i32
      %mul3A_777 = arith.muli %add3A_775, %mul3A_776 : i32
      %get3A_778 = arith.index_cast %mul3A_777 : i32 to index
      %get3A_779 = tpu.vector_load %arg4[%get3A_778] {strides = array<i32>} : memref<8192xi32, #tpu.memory_space<vmem>>, vector<16xi32>,
      %mul3A_780 = arith.constant 16 : i32
      %mul3A_781 = arith.muli %add3A_775, %mul3A_780 : i32
      %get3A_782 = arith.index_cast %mul3A_781 : i32 to index
      %get3A_783 = tpu.vector_load %arg7[%get3A_782] {strides = array<i32>} : memref<8192xi32, #tpu.memory_space<vmem>>, vector<16xi32>,
      %ne3A_784 = arith.constant 0 : i32
      %ne3A_785 = vector.broadcast %ne3A_784 : i32 to vector<16xi32>
      %ne3A_786 = arith.cmpi ne, %get3A_783, %ne3A_785 : vector<16xi32>
      %mul3A_787 = arith.constant 16 : i32
      %mul3A_788 = arith.muli %add3A_775, %mul3A_787 : i32
      %add3A_789 = vector.broadcast %mul3A_788 : i32 to vector<16xi32>
      %add3A_790 = arith.addi %add3A_789, %iota3A : vector<16xi32>
      tpu.vector_store_idx %arg5[%get3A_779], %add3A_790 masked %ne3A_786 : memref<65536xi32, #tpu.memory_space<vmem>>[vector<16xi32>], vector<16xi32>, vector<16xi1>
      %mul3A_791 = arith.constant 16 : i32
      %mul3A_792 = arith.muli %scan3A_620, %mul3A_791 : i32
      %add3A_793 = arith.constant 9 : i32
      %add3A_794 = arith.addi %mul3A_792, %add3A_793 : i32
      %mul3A_795 = arith.constant 16 : i32
      %mul3A_796 = arith.muli %add3A_794, %mul3A_795 : i32
      %get3A_797 = arith.index_cast %mul3A_796 : i32 to index
      %get3A_798 = tpu.vector_load %arg4[%get3A_797] {strides = array<i32>} : memref<8192xi32, #tpu.memory_space<vmem>>, vector<16xi32>,
      %mul3A_799 = arith.constant 16 : i32
      %mul3A_800 = arith.muli %add3A_794, %mul3A_799 : i32
      %get3A_801 = arith.index_cast %mul3A_800 : i32 to index
      %get3A_802 = tpu.vector_load %arg7[%get3A_801] {strides = array<i32>} : memref<8192xi32, #tpu.memory_space<vmem>>, vector<16xi32>,
      %ne3A_803 = arith.constant 0 : i32
      %ne3A_804 = vector.broadcast %ne3A_803 : i32 to vector<16xi32>
      %ne3A_805 = arith.cmpi ne, %get3A_802, %ne3A_804 : vector<16xi32>
      %mul3A_806 = arith.constant 16 : i32
      %mul3A_807 = arith.muli %add3A_794, %mul3A_806 : i32
      %add3A_808 = vector.broadcast %mul3A_807 : i32 to vector<16xi32>
      %add3A_809 = arith.addi %add3A_808, %iota3A : vector<16xi32>
      tpu.vector_store_idx %arg5[%get3A_798], %add3A_809 masked %ne3A_805 : memref<65536xi32, #tpu.memory_space<vmem>>[vector<16xi32>], vector<16xi32>, vector<16xi1>
      %mul3A_810 = arith.constant 16 : i32
      %mul3A_811 = arith.muli %scan3A_620, %mul3A_810 : i32
      %add3A_812 = arith.constant 10 : i32
      %add3A_813 = arith.addi %mul3A_811, %add3A_812 : i32
      %mul3A_814 = arith.constant 16 : i32
      %mul3A_815 = arith.muli %add3A_813, %mul3A_814 : i32
      %get3A_816 = arith.index_cast %mul3A_815 : i32 to index
      %get3A_817 = tpu.vector_load %arg4[%get3A_816] {strides = array<i32>} : memref<8192xi32, #tpu.memory_space<vmem>>, vector<16xi32>,
      %mul3A_818 = arith.constant 16 : i32
      %mul3A_819 = arith.muli %add3A_813, %mul3A_818 : i32
      %get3A_820 = arith.index_cast %mul3A_819 : i32 to index
      %get3A_821 = tpu.vector_load %arg7[%get3A_820] {strides = array<i32>} : memref<8192xi32, #tpu.memory_space<vmem>>, vector<16xi32>,
      %ne3A_822 = arith.constant 0 : i32
      %ne3A_823 = vector.broadcast %ne3A_822 : i32 to vector<16xi32>
      %ne3A_824 = arith.cmpi ne, %get3A_821, %ne3A_823 : vector<16xi32>
      %mul3A_825 = arith.constant 16 : i32
      %mul3A_826 = arith.muli %add3A_813, %mul3A_825 : i32
      %add3A_827 = vector.broadcast %mul3A_826 : i32 to vector<16xi32>
      %add3A_828 = arith.addi %add3A_827, %iota3A : vector<16xi32>
      tpu.vector_store_idx %arg5[%get3A_817], %add3A_828 masked %ne3A_824 : memref<65536xi32, #tpu.memory_space<vmem>>[vector<16xi32>], vector<16xi32>, vector<16xi1>
      %mul3A_829 = arith.constant 16 : i32
      %mul3A_830 = arith.muli %scan3A_620, %mul3A_829 : i32
      %add3A_831 = arith.constant 11 : i32
      %add3A_832 = arith.addi %mul3A_830, %add3A_831 : i32
      %mul3A_833 = arith.constant 16 : i32
      %mul3A_834 = arith.muli %add3A_832, %mul3A_833 : i32
      %get3A_835 = arith.index_cast %mul3A_834 : i32 to index
      %get3A_836 = tpu.vector_load %arg4[%get3A_835] {strides = array<i32>} : memref<8192xi32, #tpu.memory_space<vmem>>, vector<16xi32>,
      %mul3A_837 = arith.constant 16 : i32
      %mul3A_838 = arith.muli %add3A_832, %mul3A_837 : i32
      %get3A_839 = arith.index_cast %mul3A_838 : i32 to index
      %get3A_840 = tpu.vector_load %arg7[%get3A_839] {strides = array<i32>} : memref<8192xi32, #tpu.memory_space<vmem>>, vector<16xi32>,
      %ne3A_841 = arith.constant 0 : i32
      %ne3A_842 = vector.broadcast %ne3A_841 : i32 to vector<16xi32>
      %ne3A_843 = arith.cmpi ne, %get3A_840, %ne3A_842 : vector<16xi32>
      %mul3A_844 = arith.constant 16 : i32
      %mul3A_845 = arith.muli %add3A_832, %mul3A_844 : i32
      %add3A_846 = vector.broadcast %mul3A_845 : i32 to vector<16xi32>
      %add3A_847 = arith.addi %add3A_846, %iota3A : vector<16xi32>
      tpu.vector_store_idx %arg5[%get3A_836], %add3A_847 masked %ne3A_843 : memref<65536xi32, #tpu.memory_space<vmem>>[vector<16xi32>], vector<16xi32>, vector<16xi1>
      %mul3A_848 = arith.constant 16 : i32
      %mul3A_849 = arith.muli %scan3A_620, %mul3A_848 : i32
      %add3A_850 = arith.constant 12 : i32
      %add3A_851 = arith.addi %mul3A_849, %add3A_850 : i32
      %mul3A_852 = arith.constant 16 : i32
      %mul3A_853 = arith.muli %add3A_851, %mul3A_852 : i32
      %get3A_854 = arith.index_cast %mul3A_853 : i32 to index
      %get3A_855 = tpu.vector_load %arg4[%get3A_854] {strides = array<i32>} : memref<8192xi32, #tpu.memory_space<vmem>>, vector<16xi32>,
      %mul3A_856 = arith.constant 16 : i32
      %mul3A_857 = arith.muli %add3A_851, %mul3A_856 : i32
      %get3A_858 = arith.index_cast %mul3A_857 : i32 to index
      %get3A_859 = tpu.vector_load %arg7[%get3A_858] {strides = array<i32>} : memref<8192xi32, #tpu.memory_space<vmem>>, vector<16xi32>,
      %ne3A_860 = arith.constant 0 : i32
      %ne3A_861 = vector.broadcast %ne3A_860 : i32 to vector<16xi32>
      %ne3A_862 = arith.cmpi ne, %get3A_859, %ne3A_861 : vector<16xi32>
      %mul3A_863 = arith.constant 16 : i32
      %mul3A_864 = arith.muli %add3A_851, %mul3A_863 : i32
      %add3A_865 = vector.broadcast %mul3A_864 : i32 to vector<16xi32>
      %add3A_866 = arith.addi %add3A_865, %iota3A : vector<16xi32>
      tpu.vector_store_idx %arg5[%get3A_855], %add3A_866 masked %ne3A_862 : memref<65536xi32, #tpu.memory_space<vmem>>[vector<16xi32>], vector<16xi32>, vector<16xi1>
      %mul3A_867 = arith.constant 16 : i32
      %mul3A_868 = arith.muli %scan3A_620, %mul3A_867 : i32
      %add3A_869 = arith.constant 13 : i32
      %add3A_870 = arith.addi %mul3A_868, %add3A_869 : i32
      %mul3A_871 = arith.constant 16 : i32
      %mul3A_872 = arith.muli %add3A_870, %mul3A_871 : i32
      %get3A_873 = arith.index_cast %mul3A_872 : i32 to index
      %get3A_874 = tpu.vector_load %arg4[%get3A_873] {strides = array<i32>} : memref<8192xi32, #tpu.memory_space<vmem>>, vector<16xi32>,
      %mul3A_875 = arith.constant 16 : i32
      %mul3A_876 = arith.muli %add3A_870, %mul3A_875 : i32
      %get3A_877 = arith.index_cast %mul3A_876 : i32 to index
      %get3A_878 = tpu.vector_load %arg7[%get3A_877] {strides = array<i32>} : memref<8192xi32, #tpu.memory_space<vmem>>, vector<16xi32>,
      %ne3A_879 = arith.constant 0 : i32
      %ne3A_880 = vector.broadcast %ne3A_879 : i32 to vector<16xi32>
      %ne3A_881 = arith.cmpi ne, %get3A_878, %ne3A_880 : vector<16xi32>
      %mul3A_882 = arith.constant 16 : i32
      %mul3A_883 = arith.muli %add3A_870, %mul3A_882 : i32
      %add3A_884 = vector.broadcast %mul3A_883 : i32 to vector<16xi32>
      %add3A_885 = arith.addi %add3A_884, %iota3A : vector<16xi32>
      tpu.vector_store_idx %arg5[%get3A_874], %add3A_885 masked %ne3A_881 : memref<65536xi32, #tpu.memory_space<vmem>>[vector<16xi32>], vector<16xi32>, vector<16xi1>
      %mul3A_886 = arith.constant 16 : i32
      %mul3A_887 = arith.muli %scan3A_620, %mul3A_886 : i32
      %add3A_888 = arith.constant 14 : i32
      %add3A_889 = arith.addi %mul3A_887, %add3A_888 : i32
      %mul3A_890 = arith.constant 16 : i32
      %mul3A_891 = arith.muli %add3A_889, %mul3A_890 : i32
      %get3A_892 = arith.index_cast %mul3A_891 : i32 to index
      %get3A_893 = tpu.vector_load %arg4[%get3A_892] {strides = array<i32>} : memref<8192xi32, #tpu.memory_space<vmem>>, vector<16xi32>,
      %mul3A_894 = arith.constant 16 : i32
      %mul3A_895 = arith.muli %add3A_889, %mul3A_894 : i32
      %get3A_896 = arith.index_cast %mul3A_895 : i32 to index
      %get3A_897 = tpu.vector_load %arg7[%get3A_896] {strides = array<i32>} : memref<8192xi32, #tpu.memory_space<vmem>>, vector<16xi32>,
      %ne3A_898 = arith.constant 0 : i32
      %ne3A_899 = vector.broadcast %ne3A_898 : i32 to vector<16xi32>
      %ne3A_900 = arith.cmpi ne, %get3A_897, %ne3A_899 : vector<16xi32>
      %mul3A_901 = arith.constant 16 : i32
      %mul3A_902 = arith.muli %add3A_889, %mul3A_901 : i32
      %add3A_903 = vector.broadcast %mul3A_902 : i32 to vector<16xi32>
      %add3A_904 = arith.addi %add3A_903, %iota3A : vector<16xi32>
      tpu.vector_store_idx %arg5[%get3A_893], %add3A_904 masked %ne3A_900 : memref<65536xi32, #tpu.memory_space<vmem>>[vector<16xi32>], vector<16xi32>, vector<16xi1>
      %mul3A_905 = arith.constant 16 : i32
      %mul3A_906 = arith.muli %scan3A_620, %mul3A_905 : i32
      %add3A_907 = arith.constant 15 : i32
      %add3A_908 = arith.addi %mul3A_906, %add3A_907 : i32
      %mul3A_909 = arith.constant 16 : i32
      %mul3A_910 = arith.muli %add3A_908, %mul3A_909 : i32
      %get3A_911 = arith.index_cast %mul3A_910 : i32 to index
      %get3A_912 = tpu.vector_load %arg4[%get3A_911] {strides = array<i32>} : memref<8192xi32, #tpu.memory_space<vmem>>, vector<16xi32>,
      %mul3A_913 = arith.constant 16 : i32
      %mul3A_914 = arith.muli %add3A_908, %mul3A_913 : i32
      %get3A_915 = arith.index_cast %mul3A_914 : i32 to index
      %get3A_916 = tpu.vector_load %arg7[%get3A_915] {strides = array<i32>} : memref<8192xi32, #tpu.memory_space<vmem>>, vector<16xi32>,
      %ne3A_917 = arith.constant 0 : i32
      %ne3A_918 = vector.broadcast %ne3A_917 : i32 to vector<16xi32>
      %ne3A_919 = arith.cmpi ne, %get3A_916, %ne3A_918 : vector<16xi32>
      %mul3A_920 = arith.constant 16 : i32
      %mul3A_921 = arith.muli %add3A_908, %mul3A_920 : i32
      %add3A_922 = vector.broadcast %mul3A_921 : i32 to vector<16xi32>
      %add3A_923 = arith.addi %add3A_922, %iota3A : vector<16xi32>
      tpu.vector_store_idx %arg5[%get3A_912], %add3A_923 masked %ne3A_919 : memref<65536xi32, #tpu.memory_space<vmem>>[vector<16xi32>], vector<16xi32>, vector<16xi1>
    }
    %scan3A_611 = arith.constant 32 : i32
    %scan3A_612 = arith.constant 0 : i32
    %scan3A_613 = arith.constant 0 : i32
    %scan3A_614 = arith.constant 4 : i32
    %scan3A_615 = arith.addi %scan3A_613, %scan3A_614 : i32
    %scan3A_616 = arith.constant 1 : i32
    scf.for %scan3A_620 = %scan3A_613 to %scan3A_615 step %scan3A_616  : i32 {
      %mul3A_621 = arith.constant 4 : i32
      %mul3A_622 = arith.muli %scan3A_620, %mul3A_621 : i32
      %add3A_623 = arith.constant 0 : i32
      %add3A_624 = arith.addi %mul3A_622, %add3A_623 : i32
      %mul3A_625 = arith.constant 16 : i32
      %mul3A_626 = arith.muli %add3A, %mul3A_625 : i32
      %add3A_627 = arith.addi %mul3A_626, %add3A_624 : i32
      %mul3A_628 = arith.constant 16 : i32
      %mul3A_629 = arith.muli %add3A_627, %mul3A_628 : i32
      %get3A_630 = arith.index_cast %mul3A_629 : i32 to index
      %get3A_631 = tpu.vector_load %arg4[%get3A_630] {strides = array<i32>} : memref<8192xi32, #tpu.memory_space<vmem>>, vector<16xi32>,
      %gather3A = tpu.vector_load_idx %arg5[%get3A_631] : memref<65536xi32, #tpu.memory_space<vmem>>[vector<16xi32>], vector<16xi32>,
      %mul3A_632 = arith.constant 16 : i32
      %mul3A_633 = arith.muli %add3A_627, %mul3A_632 : i32
      %add3A_634 = vector.broadcast %mul3A_633 : i32 to vector<16xi32>
      %add3A_635 = arith.addi %add3A_634, %iota3A : vector<16xi32>
      %eq3A = arith.cmpi eq, %gather3A, %add3A_635 : vector<16xi32>
      %jit3A_636 = arith.constant 1.000000e+00 : f32
      %jit3A_637 = arith.constant 0.000000e+00 : f32
      %broadcast_in_dim3A_638 = vector.broadcast %jit3A_636 : f32 to vector<16xf32>
      %broadcast_in_dim3A_639 = vector.broadcast %jit3A_637 : f32 to vector<16xf32>
      %select_n3A_640 = arith.select %eq3A, %broadcast_in_dim3A_638, %broadcast_in_dim3A_639 : vector<16xi1>, vector<16xf32>
      %mul3A_641 = arith.constant 16 : i32
      %mul3A_642 = arith.muli %add3A_624, %mul3A_641 : i32
      %swap3A_643 = arith.index_cast %mul3A_642 : i32 to index
      %swap3A_644 = tpu.vector_load %arg8[%swap3A_643] {strides = array<i32>} : memref<256xf32, #tpu.memory_space<vmem>>, vector<16xf32>,
      tpu.vector_store %arg8[%swap3A_643], %select_n3A_640 {strides = array<i32>} : memref<256xf32, #tpu.memory_space<vmem>>, vector<16xf32>,
      %mul3A_645 = arith.constant 4 : i32
      %mul3A_646 = arith.muli %scan3A_620, %mul3A_645 : i32
      %add3A_647 = arith.constant 1 : i32
      %add3A_648 = arith.addi %mul3A_646, %add3A_647 : i32
      %mul3A_649 = arith.constant 16 : i32
      %mul3A_650 = arith.muli %add3A, %mul3A_649 : i32
      %add3A_651 = arith.addi %mul3A_650, %add3A_648 : i32
      %mul3A_652 = arith.constant 16 : i32
      %mul3A_653 = arith.muli %add3A_651, %mul3A_652 : i32
      %get3A_654 = arith.index_cast %mul3A_653 : i32 to index
      %get3A_655 = tpu.vector_load %arg4[%get3A_654] {strides = array<i32>} : memref<8192xi32, #tpu.memory_space<vmem>>, vector<16xi32>,
      %gather3A_656 = tpu.vector_load_idx %arg5[%get3A_655] : memref<65536xi32, #tpu.memory_space<vmem>>[vector<16xi32>], vector<16xi32>,
      %mul3A_657 = arith.constant 16 : i32
      %mul3A_658 = arith.muli %add3A_651, %mul3A_657 : i32
      %add3A_659 = vector.broadcast %mul3A_658 : i32 to vector<16xi32>
      %add3A_660 = arith.addi %add3A_659, %iota3A : vector<16xi32>
      %eq3A_661 = arith.cmpi eq, %gather3A_656, %add3A_660 : vector<16xi32>
      %jit3A_662 = arith.constant 1.000000e+00 : f32
      %jit3A_663 = arith.constant 0.000000e+00 : f32
      %broadcast_in_dim3A_664 = vector.broadcast %jit3A_662 : f32 to vector<16xf32>
      %broadcast_in_dim3A_665 = vector.broadcast %jit3A_663 : f32 to vector<16xf32>
      %select_n3A_666 = arith.select %eq3A_661, %broadcast_in_dim3A_664, %broadcast_in_dim3A_665 : vector<16xi1>, vector<16xf32>
      %mul3A_667 = arith.constant 16 : i32
      %mul3A_668 = arith.muli %add3A_648, %mul3A_667 : i32
      %swap3A_669 = arith.index_cast %mul3A_668 : i32 to index
      %swap3A_670 = tpu.vector_load %arg8[%swap3A_669] {strides = array<i32>} : memref<256xf32, #tpu.memory_space<vmem>>, vector<16xf32>,
      tpu.vector_store %arg8[%swap3A_669], %select_n3A_666 {strides = array<i32>} : memref<256xf32, #tpu.memory_space<vmem>>, vector<16xf32>,
      %mul3A_671 = arith.constant 4 : i32
      %mul3A_672 = arith.muli %scan3A_620, %mul3A_671 : i32
      %add3A_673 = arith.constant 2 : i32
      %add3A_674 = arith.addi %mul3A_672, %add3A_673 : i32
      %mul3A_675 = arith.constant 16 : i32
      %mul3A_676 = arith.muli %add3A, %mul3A_675 : i32
      %add3A_677 = arith.addi %mul3A_676, %add3A_674 : i32
      %mul3A_678 = arith.constant 16 : i32
      %mul3A_679 = arith.muli %add3A_677, %mul3A_678 : i32
      %get3A_680 = arith.index_cast %mul3A_679 : i32 to index
      %get3A_681 = tpu.vector_load %arg4[%get3A_680] {strides = array<i32>} : memref<8192xi32, #tpu.memory_space<vmem>>, vector<16xi32>,
      %gather3A_682 = tpu.vector_load_idx %arg5[%get3A_681] : memref<65536xi32, #tpu.memory_space<vmem>>[vector<16xi32>], vector<16xi32>,
      %mul3A_683 = arith.constant 16 : i32
      %mul3A_684 = arith.muli %add3A_677, %mul3A_683 : i32
      %add3A_685 = vector.broadcast %mul3A_684 : i32 to vector<16xi32>
      %add3A_686 = arith.addi %add3A_685, %iota3A : vector<16xi32>
      %eq3A_687 = arith.cmpi eq, %gather3A_682, %add3A_686 : vector<16xi32>
      %jit3A_688 = arith.constant 1.000000e+00 : f32
      %jit3A_689 = arith.constant 0.000000e+00 : f32
      %broadcast_in_dim3A_690 = vector.broadcast %jit3A_688 : f32 to vector<16xf32>
      %broadcast_in_dim3A_691 = vector.broadcast %jit3A_689 : f32 to vector<16xf32>
      %select_n3A_692 = arith.select %eq3A_687, %broadcast_in_dim3A_690, %broadcast_in_dim3A_691 : vector<16xi1>, vector<16xf32>
      %mul3A_693 = arith.constant 16 : i32
      %mul3A_694 = arith.muli %add3A_674, %mul3A_693 : i32
      %swap3A_695 = arith.index_cast %mul3A_694 : i32 to index
      %swap3A_696 = tpu.vector_load %arg8[%swap3A_695] {strides = array<i32>} : memref<256xf32, #tpu.memory_space<vmem>>, vector<16xf32>,
      tpu.vector_store %arg8[%swap3A_695], %select_n3A_692 {strides = array<i32>} : memref<256xf32, #tpu.memory_space<vmem>>, vector<16xf32>,
      %mul3A_697 = arith.constant 4 : i32
      %mul3A_698 = arith.muli %scan3A_620, %mul3A_697 : i32
      %add3A_699 = arith.constant 3 : i32
      %add3A_700 = arith.addi %mul3A_698, %add3A_699 : i32
      %mul3A_701 = arith.constant 16 : i32
      %mul3A_702 = arith.muli %add3A, %mul3A_701 : i32
      %add3A_703 = arith.addi %mul3A_702, %add3A_700 : i32
      %mul3A_704 = arith.constant 16 : i32
      %mul3A_705 = arith.muli %add3A_703, %mul3A_704 : i32
      %get3A_706 = arith.index_cast %mul3A_705 : i32 to index
      %get3A_707 = tpu.vector_load %arg4[%get3A_706] {strides = array<i32>} : memref<8192xi32, #tpu.memory_space<vmem>>, vector<16xi32>,
      %gather3A_708 = tpu.vector_load_idx %arg5[%get3A_707] : memref<65536xi32, #tpu.memory_space<vmem>>[vector<16xi32>], vector<16xi32>,
      %mul3A_709 = arith.constant 16 : i32
      %mul3A_710 = arith.muli %add3A_703, %mul3A_709 : i32
      %add3A_711 = vector.broadcast %mul3A_710 : i32 to vector<16xi32>
      %add3A_712 = arith.addi %add3A_711, %iota3A : vector<16xi32>
      %eq3A_713 = arith.cmpi eq, %gather3A_708, %add3A_712 : vector<16xi32>
      %jit3A_714 = arith.constant 1.000000e+00 : f32
      %jit3A_715 = arith.constant 0.000000e+00 : f32
      %broadcast_in_dim3A_716 = vector.broadcast %jit3A_714 : f32 to vector<16xf32>
      %broadcast_in_dim3A_717 = vector.broadcast %jit3A_715 : f32 to vector<16xf32>
      %select_n3A_718 = arith.select %eq3A_713, %broadcast_in_dim3A_716, %broadcast_in_dim3A_717 : vector<16xi1>, vector<16xf32>
      %mul3A_719 = arith.constant 16 : i32
      %mul3A_720 = arith.muli %add3A_700, %mul3A_719 : i32
      %swap3A_721 = arith.index_cast %mul3A_720 : i32 to index
      %swap3A_722 = tpu.vector_load %arg8[%swap3A_721] {strides = array<i32>} : memref<256xf32, #tpu.memory_space<vmem>>, vector<16xf32>,
      tpu.vector_store %arg8[%swap3A_721], %select_n3A_718 {strides = array<i32>} : memref<256xf32, #tpu.memory_space<vmem>>, vector<16xf32>,
    }
    %scan3A_617 = arith.constant 4 : i32
    %mul3A_618 = arith.constant 256 : i32
    %mul3A_619 = arith.muli %add3A, %mul3A_618 : i32
    "tpu.region"() ({
      %run_scoped3A = tpu.sem_alloc : memref<!tpu.dma_semaphore, #tpu.memory_space<semaphore_mem>>
      %dma_start3A = tpu.memref_slice %arg3[%mul3A_619] : memref<8192xf32, #tpu.memory_space<hbm>> -> memref<256xf32, #tpu.memory_space<hbm>>
      %dma_start3A_620 = tpu.memref_slice %arg3[%mul3A_619] : memref<8192xf32, #tpu.memory_space<hbm>> -> memref<256xf32, #tpu.memory_space<hbm>>
      tpu.enqueue_dma source(%arg8 : memref<256xf32, #tpu.memory_space<vmem>>) target(%dma_start3A_620 : memref<256xf32, #tpu.memory_space<hbm>>) target_semaphore(%run_scoped3A : memref<!tpu.dma_semaphore, #tpu.memory_space<semaphore_mem>>)
      %dma_wait3A = tpu.memref_slice %arg3[%mul3A_619] : memref<8192xf32, #tpu.memory_space<hbm>> -> memref<256xf32, #tpu.memory_space<hbm>>
      %dma_wait3A_621 = tpu.memref_slice %arg3[%mul3A_619] : memref<8192xf32, #tpu.memory_space<hbm>> -> memref<256xf32, #tpu.memory_space<hbm>>
      tpu.wait_dma2 semaphore(%run_scoped3A : memref<!tpu.dma_semaphore, #tpu.memory_space<semaphore_mem>>) src(%arg8 : memref<256xf32, #tpu.memory_space<vmem>>) dst(%dma_wait3A_621 : memref<256xf32, #tpu.memory_space<hbm>>)
      tpu.yield
    }) : () -> ()
    return
  }
}

module attributes {stable_mosaic.version = 14 : i64} {
  func.func @_tc_body(%arg0: i32, %arg1: memref<1x1x2048xf32, #tpu.memory_space<vmem>>, %arg2: memref<4x128xf32, #tpu.memory_space<vmem>>, %arg3: memref<4x64xf32, #tpu.memory_space<vmem>>, %arg4: memref<4x2048xf32, #tpu.memory_space<vmem>>, %arg5: memref<4x2048x128xf32, #tpu.memory_space<vmem>>, %arg6: memref<4x2048x64xf32, #tpu.memory_space<vmem>>, %arg7: memref<4x386xf32, #tpu.memory_space<vmem>>, %arg8: memref<4x128xf32, #tpu.memory_space<vmem>>, %arg9: memref<4x64xf32, #tpu.memory_space<vmem>>, %arg10: memref<4x1xf32, #tpu.memory_space<vmem>>) attributes {dimension_semantics = [#tpu.dimension_semantics<arbitrary>], iteration_bounds = array<i64: 4>, scalar_prefetch = 0 : i64, scratch_operands = 3 : i64, tpu.core_type = #tpu.core_type<tc>, window_params = [{transform_indices = @transform_0, window_bounds = array<i64: 1, 1, 2048>}, {pipeline_mode = #tpu.pipeline_mode<synchronous>, transform_indices = @transform_1, window_bounds = array<i64: 4, 128>}, {pipeline_mode = #tpu.pipeline_mode<synchronous>, transform_indices = @transform_2, window_bounds = array<i64: 4, 64>}, {transform_indices = @transform_3, window_bounds = array<i64: 4, 2048>}, {transform_indices = @transform_4, window_bounds = array<i64: 4, 2048, 128>}, {transform_indices = @transform_5, window_bounds = array<i64: 4, 2048, 64>}, {pipeline_mode = #tpu.pipeline_mode<synchronous>, transform_indices = @transform_6, window_bounds = array<i64: 4, 386>}]} {
    %eq3A = arith.constant 0 : i32
    %eq3A_0 = arith.cmpi eq, %arg0, %eq3A : i32
    %convert_element_type3A = arith.extui %eq3A_0 : i1 to i32
    %cond3A = arith.constant 0 : i32
    %cond3A_1 = arith.cmpi ne, %convert_element_type3A, %cond3A : i32
    scf.if %cond3A_1 {
      %get3A_51 = arith.constant 0 : index
      %get3A_52 = arith.constant 0 : index
      %get3A_53 = vector.load %arg2[%get3A_51, %get3A_52] : memref<4x128xf32, #tpu.memory_space<vmem>>, vector<4x128xf32>
      %swap3A_54 = arith.constant 0 : index
      %swap3A_55 = arith.constant 0 : index
      %swap3A_56 = vector.load %arg8[%swap3A_54, %swap3A_55] : memref<4x128xf32, #tpu.memory_space<vmem>>, vector<4x128xf32>
      tpu.vector_store %arg8[%swap3A_54, %swap3A_55], %get3A_53 {strides = array<i32>} : memref<4x128xf32, #tpu.memory_space<vmem>>, vector<4x128xf32>,
      %get3A_57 = arith.constant 0 : index
      %get3A_58 = arith.constant 0 : index
      %get3A_59 = vector.load %arg3[%get3A_57, %get3A_58] : memref<4x64xf32, #tpu.memory_space<vmem>>, vector<4x64xf32>
      %swap3A_60 = arith.constant 0 : index
      %swap3A_61 = arith.constant 0 : index
      %swap3A_62 = vector.load %arg9[%swap3A_60, %swap3A_61] : memref<4x64xf32, #tpu.memory_space<vmem>>, vector<4x64xf32>
      tpu.vector_store %arg9[%swap3A_60, %swap3A_61], %get3A_59 {strides = array<i32>} : memref<4x64xf32, #tpu.memory_space<vmem>>, vector<4x64xf32>,
      %broadcast_in_dim3A_63 = arith.constant -5.120000e+02 : f32
      %broadcast_in_dim3A_64 = vector.broadcast %broadcast_in_dim3A_63 : f32 to vector<4x1xf32>
      %swap3A_65 = arith.constant 0 : index
      %swap3A_66 = arith.constant 0 : index
      %swap3A_67 = vector.load %arg10[%swap3A_65, %swap3A_66] : memref<4x1xf32, #tpu.memory_space<vmem>>, vector<4x1xf32>
      tpu.vector_store %arg10[%swap3A_65, %swap3A_66], %broadcast_in_dim3A_64 {strides = array<i32>} : memref<4x1xf32, #tpu.memory_space<vmem>>, vector<4x1xf32>,
    } else {
    }
    %get3A = arith.constant 0 : index
    %get3A_2 = arith.constant 0 : index
    %get3A_3 = arith.constant 0 : index
    %get3A_4 = vector.load %arg1[%get3A, %get3A_2, %get3A_3] : memref<1x1x2048xf32, #tpu.memory_space<vmem>>, vector<1x1x2048xf32>
    %get3A_5 = vector.shape_cast %get3A_4 : vector<1x1x2048xf32> to vector<2048xf32>
    %get3A_6 = arith.constant 0 : index
    %get3A_7 = arith.constant 0 : index
    %get3A_8 = vector.load %arg8[%get3A_6, %get3A_7] : memref<4x128xf32, #tpu.memory_space<vmem>>, vector<4x128xf32>
    %get3A_9 = arith.constant 0 : index
    %get3A_10 = arith.constant 0 : index
    %get3A_11 = arith.constant 0 : index
    %get3A_12 = vector.load %arg5[%get3A_9, %get3A_10, %get3A_11] : memref<4x2048x128xf32, #tpu.memory_space<vmem>>, vector<4x2048x128xf32>
    %broadcast_in_dim3A = vector.shape_cast %get3A_5 : vector<2048xf32> to vector<1x2048x1xf32>
    %mul3A = vector.broadcast %broadcast_in_dim3A : vector<1x2048x1xf32> to vector<4x2048x128xf32>
    %mul3A_13 = arith.mulf %get3A_12, %mul3A : vector<4x2048x128xf32>
    %reduce_sum3A = arith.constant dense<0.000000e+00> : vector<4x128xf32>
    %reduce_sum3A_14 = vector.multi_reduction <add>, %mul3A_13, %reduce_sum3A [1] : vector<4x2048x128xf32> to vector<4x128xf32>
    %add3A = arith.addf %get3A_8, %reduce_sum3A_14 : vector<4x128xf32>
    %swap3A = arith.constant 0 : index
    %swap3A_15 = arith.constant 0 : index
    %swap3A_16 = vector.load %arg8[%swap3A, %swap3A_15] : memref<4x128xf32, #tpu.memory_space<vmem>>, vector<4x128xf32>
    tpu.vector_store %arg8[%swap3A, %swap3A_15], %add3A {strides = array<i32>} : memref<4x128xf32, #tpu.memory_space<vmem>>, vector<4x128xf32>,
    %get3A_17 = arith.constant 0 : index
    %get3A_18 = arith.constant 0 : index
    %get3A_19 = vector.load %arg9[%get3A_17, %get3A_18] : memref<4x64xf32, #tpu.memory_space<vmem>>, vector<4x64xf32>
    %get3A_20 = arith.constant 0 : index
    %get3A_21 = arith.constant 0 : index
    %get3A_22 = arith.constant 0 : index
    %get3A_23 = vector.load %arg6[%get3A_20, %get3A_21, %get3A_22] : memref<4x2048x64xf32, #tpu.memory_space<vmem>>, vector<4x2048x64xf32>
    %broadcast_in_dim3A_24 = vector.shape_cast %get3A_5 : vector<2048xf32> to vector<1x2048x1xf32>
    %mul3A_25 = vector.broadcast %broadcast_in_dim3A_24 : vector<1x2048x1xf32> to vector<4x2048x64xf32>
    %mul3A_26 = arith.mulf %get3A_23, %mul3A_25 : vector<4x2048x64xf32>
    %reduce_sum3A_27 = arith.constant dense<0.000000e+00> : vector<4x64xf32>
    %reduce_sum3A_28 = vector.multi_reduction <add>, %mul3A_26, %reduce_sum3A_27 [1] : vector<4x2048x64xf32> to vector<4x64xf32>
    %add3A_29 = arith.addf %get3A_19, %reduce_sum3A_28 : vector<4x64xf32>
    %swap3A_30 = arith.constant 0 : index
    %swap3A_31 = arith.constant 0 : index
    %swap3A_32 = vector.load %arg9[%swap3A_30, %swap3A_31] : memref<4x64xf32, #tpu.memory_space<vmem>>, vector<4x64xf32>
    tpu.vector_store %arg9[%swap3A_30, %swap3A_31], %add3A_29 {strides = array<i32>} : memref<4x64xf32, #tpu.memory_space<vmem>>, vector<4x64xf32>,
    %get3A_33 = arith.constant 0 : index
    %get3A_34 = arith.constant 0 : index
    %get3A_35 = vector.load %arg10[%get3A_33, %get3A_34] : memref<4x1xf32, #tpu.memory_space<vmem>>, vector<4x1xf32>
    %get3A_36 = arith.constant 0 : index
    %get3A_37 = arith.constant 0 : index
    %get3A_38 = vector.load %arg4[%get3A_36, %get3A_37] : memref<4x2048xf32, #tpu.memory_space<vmem>>, vector<4x2048xf32>
    %reduce_sum3A_39 = arith.constant dense<0.000000e+00> : vector<4xf32>
    %reduce_sum3A_40 = vector.multi_reduction <add>, %get3A_38, %reduce_sum3A_39 [1] : vector<4x2048xf32> to vector<4xf32>
    %broadcast_in_dim3A_41 = vector.shape_cast %reduce_sum3A_40 : vector<4xf32> to vector<4x1xf32>
    %add3A_42 = arith.addf %get3A_35, %broadcast_in_dim3A_41 : vector<4x1xf32>
    %swap3A_43 = arith.constant 0 : index
    %swap3A_44 = arith.constant 0 : index
    %swap3A_45 = vector.load %arg10[%swap3A_43, %swap3A_44] : memref<4x1xf32, #tpu.memory_space<vmem>>, vector<4x1xf32>
    tpu.vector_store %arg10[%swap3A_43, %swap3A_44], %add3A_42 {strides = array<i32>} : memref<4x1xf32, #tpu.memory_space<vmem>>, vector<4x1xf32>,
    %eq3A_46 = arith.constant 3 : i32
    %eq3A_47 = arith.cmpi eq, %arg0, %eq3A_46 : i32
    %convert_element_type3A_48 = arith.extui %eq3A_47 : i1 to i32
    %cond3A_49 = arith.constant 0 : i32
    %cond3A_50 = arith.cmpi ne, %convert_element_type3A_48, %cond3A_49 : i32
    scf.if %cond3A_50 {
      %get3A_51 = arith.constant 0 : index
      %get3A_52 = arith.constant 0 : index
      %get3A_53 = vector.load %arg2[%get3A_51, %get3A_52] : memref<4x128xf32, #tpu.memory_space<vmem>>, vector<4x128xf32>
      %swap3A_54 = arith.constant 0 : index
      %swap3A_55 = arith.constant 0 : index
      %swap3A_56 = vector.load %arg7[%swap3A_54, %swap3A_55] : memref<4x386xf32, #tpu.memory_space<vmem>>, vector<4x128xf32>
      tpu.vector_store %arg7[%swap3A_54, %swap3A_55], %get3A_53 {strides = array<i32>} : memref<4x386xf32, #tpu.memory_space<vmem>>, vector<4x128xf32>,
      %get3A_57 = arith.constant 0 : index
      %get3A_58 = arith.constant 0 : index
      %get3A_59 = vector.load %arg3[%get3A_57, %get3A_58] : memref<4x64xf32, #tpu.memory_space<vmem>>, vector<4x64xf32>
      %swap3A_60 = arith.constant 0 : index
      %swap3A_61 = arith.constant 128 : index
      %swap3A_62 = vector.load %arg7[%swap3A_60, %swap3A_61] : memref<4x386xf32, #tpu.memory_space<vmem>>, vector<4x64xf32>
      tpu.vector_store %arg7[%swap3A_60, %swap3A_61], %get3A_59 {strides = array<i32>} : memref<4x386xf32, #tpu.memory_space<vmem>>, vector<4x64xf32>,
      %broadcast_in_dim3A_63 = arith.constant 0.000000e+00 : f32
      %broadcast_in_dim3A_64 = vector.broadcast %broadcast_in_dim3A_63 : f32 to vector<4x1xf32>
      %swap3A_65 = arith.constant 0 : index
      %swap3A_66 = arith.constant 192 : index
      %swap3A_67 = vector.load %arg7[%swap3A_65, %swap3A_66] : memref<4x386xf32, #tpu.memory_space<vmem>>, vector<4x1xf32>
      tpu.vector_store %arg7[%swap3A_65, %swap3A_66], %broadcast_in_dim3A_64 {strides = array<i32>} : memref<4x386xf32, #tpu.memory_space<vmem>>, vector<4x1xf32>,
      %get3A_68 = arith.constant 0 : index
      %get3A_69 = arith.constant 0 : index
      %get3A_70 = vector.load %arg8[%get3A_68, %get3A_69] : memref<4x128xf32, #tpu.memory_space<vmem>>, vector<4x128xf32>
      %swap3A_71 = arith.constant 0 : index
      %swap3A_72 = arith.constant 193 : index
      %swap3A_73 = vector.load %arg7[%swap3A_71, %swap3A_72] : memref<4x386xf32, #tpu.memory_space<vmem>>, vector<4x128xf32>
      tpu.vector_store %arg7[%swap3A_71, %swap3A_72], %get3A_70 {strides = array<i32>} : memref<4x386xf32, #tpu.memory_space<vmem>>, vector<4x128xf32>,
      %get3A_74 = arith.constant 0 : index
      %get3A_75 = arith.constant 0 : index
      %get3A_76 = vector.load %arg9[%get3A_74, %get3A_75] : memref<4x64xf32, #tpu.memory_space<vmem>>, vector<4x64xf32>
      %swap3A_77 = arith.constant 0 : index
      %swap3A_78 = arith.constant 321 : index
      %swap3A_79 = vector.load %arg7[%swap3A_77, %swap3A_78] : memref<4x386xf32, #tpu.memory_space<vmem>>, vector<4x64xf32>
      tpu.vector_store %arg7[%swap3A_77, %swap3A_78], %get3A_76 {strides = array<i32>} : memref<4x386xf32, #tpu.memory_space<vmem>>, vector<4x64xf32>,
      %get3A_80 = arith.constant 0 : index
      %get3A_81 = arith.constant 0 : index
      %get3A_82 = vector.load %arg10[%get3A_80, %get3A_81] : memref<4x1xf32, #tpu.memory_space<vmem>>, vector<4x1xf32>
      %swap3A_83 = arith.constant 0 : index
      %swap3A_84 = arith.constant 385 : index
      %swap3A_85 = vector.load %arg7[%swap3A_83, %swap3A_84] : memref<4x386xf32, #tpu.memory_space<vmem>>, vector<4x1xf32>
      tpu.vector_store %arg7[%swap3A_83, %swap3A_84], %get3A_82 {strides = array<i32>} : memref<4x386xf32, #tpu.memory_space<vmem>>, vector<4x1xf32>,
    } else {
    }
    return
  }
  func.func @transform_0(%arg0: i32) -> (i32, i32, i32) {
    %c0_i32 = arith.constant 0 : i32
    %c0_i32_0 = arith.constant 0 : i32
    %c0_i32_1 = arith.constant 0 : i32
    return %arg0, %c0_i32, %c0_i32_0 : i32, i32, i32
  }
  func.func @transform_1(%arg0: i32) -> (i32, i32) {
    %c0_i32 = arith.constant 0 : i32
    %c0_i32_0 = arith.constant 0 : i32
    %c0_i32_1 = arith.constant 0 : i32
    return %c0_i32, %c0_i32_0 : i32, i32
  }
  func.func @transform_2(%arg0: i32) -> (i32, i32) {
    %c0_i32 = arith.constant 0 : i32
    %c0_i32_0 = arith.constant 0 : i32
    %c0_i32_1 = arith.constant 0 : i32
    return %c0_i32, %c0_i32_0 : i32, i32
  }
  func.func @transform_3(%arg0: i32) -> (i32, i32) {
    %c0_i32 = arith.constant 0 : i32
    %c0_i32_0 = arith.constant 0 : i32
    return %c0_i32, %arg0 : i32, i32
  }
  func.func @transform_4(%arg0: i32) -> (i32, i32, i32) {
    %c0_i32 = arith.constant 0 : i32
    %c0_i32_0 = arith.constant 0 : i32
    %c0_i32_1 = arith.constant 0 : i32
    return %c0_i32, %arg0, %c0_i32_0 : i32, i32, i32
  }
  func.func @transform_5(%arg0: i32) -> (i32, i32, i32) {
    %c0_i32 = arith.constant 0 : i32
    %c0_i32_0 = arith.constant 0 : i32
    %c0_i32_1 = arith.constant 0 : i32
    return %c0_i32, %arg0, %c0_i32_0 : i32, i32, i32
  }
  func.func @transform_6(%arg0: i32) -> (i32, i32) {
    %c0_i32 = arith.constant 0 : i32
    %c0_i32_0 = arith.constant 0 : i32
    %c0_i32_1 = arith.constant 0 : i32
    return %c0_i32, %c0_i32_0 : i32, i32
  }
}

</mosaic_0001>

<sc_bundles>
// kernel: kernel.4.cloned.1.call-start
scs
__scs_entry_jumppad:
0x0: {  	(pc) =	sbr.rel $0x88, $3  }
0x1: {  	(tag) =	ssettag $0x0;
	lr =	simm.s32 $0x1  }
0x2: {  	[smem:$0x3F9B] =	sst lr;
	_ =	strace $0xD0000000  }
0x3: {  	_ = 	snop  }
0x4: {  	_ = 	snop  }
0x5: {  	_ = 	snop  }
0x6: {  	_ = 	snop  }
0x7: {  	_ = 	snop  }
__scs_overlays_trampoline_lowered:
0x8: {  	[smem:$0x3FAA] =	sst s0  }
0x9: {  	[smem:$0x3FAB] =	sst s1  }
0xa: {  	[smem:$0x3FAC] =	sst s2  }
0xb: {  	[smem:$0x3FAD] =	sst s3  }
0xc: {  	[smem:$0x3FAE] =	sst s4  }
0xd: {  	[smem:$0x3FAF] =	sst s5  }
0xe: {  	[smem:$0x3FB0] =	sst s6  }
0xf: {  	[smem:$0x3FB1] =	sst s7  }
0x10: {  	[smem:$0x3FB2] =	sst s8  }
0x11: {  	[smem:$0x3FB3] =	sst s9;
	s0 =	simm.s32 @!p0 $0x0  }
0x12: {  	s1 =	sld [smem:$0x3F99];
	s0 =	simm.s32 @p0 $0x1  }
0x13: {  	[smem:$0x3FB4] =	sst s0;
	s0 =	simm.s32 @!p1 $0x0  }
0x14: {  	s2 =	sld [smem:$0x3F98];
	s0 =	simm.s32 @p1 $0x1  }
0x15: {  	[smem:$0x3FB5] =	sst s0;
	s0 =	simm.s32 @!p2 $0x0  }
0x16: {  	s3 =	sld [smem:$0x3FDB];
	s0 =	simm.s32 @p2 $0x1  }
0x17: {  	s4 =	simm.s32 $0x1BF5;
	[smem:$0x3FB7] =	sst s0  }
0x18: {  	s0 =	sld [smem:$0x3F9A];
	_ =	swait.ge [sflag:s4], $0x0  }
0x19: {  	s7 =	sld [smem:$0x3F9B]  }
0x1a: {  	s8 =	sadd.s32 $0xFFFFE003, lr  }
0x1b: {  	s9 =	sadd.s32 $0xFFFFFEF7, lr;
	s5 =	simm.s32 $0xFFFFFFFF;
	p2 =	slt.u32 s8, $0xFFFFF086  }
0x1c: {  	p1 =	slt.u32 s9, $0xF7A;
	s5 =	simm.s32 @!p2 $0x0  }
0x1d: {  	s5 =	simm.s32 @p1 $0x1;
	p0 =	seq.s32 s7, s2  }
0x1e: {  	s7 =	smul.u32 @!p0 $0xF7A, s2;
	p2 =	seq.s32 @!p0 s5, $0x0  }
0x1f: {  	s9 =	smul.u32 $0xF7A, s1;
	s8 =	simm.s32 @!p0 $0x1BF5;
	p2 =	por !p2, p0  }
0x20: {  	[sflag:s8] =	ssyncset.s32 @!p0 $0xFFFFF086;
	s6 =	sadd.s32 @!p0 s3, s7;
	s7 =	simm.s32 @!p0 $0x108  }
0x21: {  	s3 =	sadd.s32 s3, s9;
	s6 =	sadd.s32 @!p0 $0x88, s6;
	s7 =	simm.s32 @p2 $0x1082  }
0x22: {  	[simem:s7], [sflag:s8] =	dma.local @!p0 [hbm:s6], $0xF7A  }
0x23: {  	s9 =	sor.u32 $0xD0000000, s2;
	s6 =	simm.s32 $0x108;
	_ =	swait.ge @!p0 [sflag:s8], $0x0  }
0x24: {  	s3 =	sadd.s32 $0x88, s3;
	s6 =	simm.s32 @!p1 $0x1082;
	[sflag:s4] =	ssyncset.s32 $0xFFFFF086  }
0x25: {  	[simem:s6], [sflag:s4] =	dma.local [hbm:s3], $0xF7A  }
0x26: {  	[smem:$0x3F9B] =	sst s1;
	(tag) =	ssettag s2;
	_ =	strace s9  }
0x27: {  	s1 =	sld [smem:$0x3FAB]  }
0x28: {  	s2 =	sld [smem:$0x3FAC]  }
0x29: {  	s4 =	sld [smem:$0x3FAE]  }
0x2a: {  	p0 =	seq.s32 s5, $0x0;
	s5 =	sld [smem:$0x3FAF]  }
0x2b: {  	s6 =	sld [smem:$0x3FB0]  }
0x2c: {  	s7 =	sld [smem:$0x3FB1]  }
0x2d: {  	s3 =	simm.s32 $0x108;
	s8 =	sld [smem:$0x3FB2]  }
0x2e: {  	s3 =	simm.s32 @!p0 $0x1082;
	s9 =	sld [smem:$0x3FB3]  }
0x2f: {  	lr =	sadd.s32 s0, s3;
	s0 =	sld [smem:$0x3FAA]  }
0x30: {  	s3 =	sld [smem:$0x3FAD]  }
0x31: {  	[smem:$0x3FB6] =	sst s10  }
0x32: {  	s10 =	sld [smem:$0x3FB4];
	_ =	sdelay $0x3  }
0x33: {  	p0 =	seq.s32 s10, $0x1;
	s10 =	sld [smem:$0x3FB6];
	_ =	sdelay $0x3  }
0x34: {  	[smem:$0x3FB6] =	sst s10  }
0x35: {  	s10 =	sld [smem:$0x3FB5];
	_ =	sdelay $0x3  }
0x36: {  	p1 =	seq.s32 s10, $0x1;
	s10 =	sld [smem:$0x3FB6];
	_ =	sdelay $0x3  }
0x37: {  	[smem:$0x3FB6] =	sst s10  }
0x38: {  	s10 =	sld [smem:$0x3FB7]  }
0x39: {  	_ = 	snop;
	(pc) =	sbr.ind lr, $3  }
0x3a: {  	_ = 	snop  }
0x3b: {  	_ = 	snop  }
0x3c: {  	p2 =	seq.s32 s10, $0x1;
	s10 =	sld [smem:$0x3FB6]  }
0x3d: {  	_ =	shalt  }
0x3e: {  	_ =	shalt  }
0x3f: {  	_ =	shalt  }
0x40: {  	_ =	shalt  }
0x41: {  	_ =	shalt  }
0x42: {  	_ =	shalt  }
0x43: {  	_ =	shalt  }
0x44: {  	_ =	shalt  }
0x45: {  	_ =	shalt  }
0x46: {  	_ =	shalt  }
0x47: {  	_ =	shalt  }
0x48: {  	_ =	shalt  }
0x49: {  	_ =	shalt  }
0x4a: {  	_ =	shalt  }
0x4b: {  	_ =	shalt  }
0x4c: {  	_ =	shalt  }
0x4d: {  	_ =	shalt  }
0x4e: {  	_ =	shalt  }
0x4f: {  	_ =	shalt  }
0x50: {  	_ =	shalt  }
0x51: {  	_ =	shalt  }
0x52: {  	_ =	shalt  }
0x53: {  	_ =	shalt  }
0x54: {  	_ =	shalt  }
0x55: {  	_ =	shalt  }
0x56: {  	_ =	shalt  }
0x57: {  	_ =	shalt  }
0x58: {  	_ =	shalt  }
0x59: {  	_ =	shalt  }
0x5a: {  	_ =	shalt  }
0x5b: {  	_ =	shalt  }
0x5c: {  	_ =	shalt  }
0x5d: {  	_ =	shalt  }
0x5e: {  	_ =	shalt  }
0x5f: {  	_ =	shalt  }
0x60: {  	_ =	shalt  }
0x61: {  	_ =	shalt  }
0x62: {  	_ =	shalt  }
0x63: {  	_ =	shalt  }
0x64: {  	_ =	shalt  }
0x65: {  	_ =	shalt  }
0x66: {  	_ =	shalt  }
0x67: {  	_ =	shalt  }
0x68: {  	_ =	shalt  }
0x69: {  	_ =	shalt  }
0x6a: {  	_ =	shalt  }
0x6b: {  	_ =	shalt  }
0x6c: {  	_ =	shalt  }
0x6d: {  	_ =	shalt  }
0x6e: {  	_ =	shalt  }
0x6f: {  	_ =	shalt  }
0x70: {  	_ =	shalt  }
0x71: {  	_ =	shalt  }
0x72: {  	_ =	shalt  }
0x73: {  	_ =	shalt  }
0x74: {  	_ =	shalt  }
0x75: {  	_ =	shalt  }
0x76: {  	_ =	shalt  }
0x77: {  	_ =	shalt  }
0x78: {  	_ =	shalt  }
0x79: {  	_ =	shalt  }
0x7a: {  	_ =	shalt  }
0x7b: {  	_ =	shalt  }
0x7c: {  	_ =	shalt  }
0x7d: {  	_ =	shalt  }
0x7e: {  	_ =	shalt  }
0x7f: {  	_ =	shalt  }
0x80: {  	_ =	shalt  }
0x81: {  	_ =	shalt  }
0x82: {  	_ =	shalt  }
0x83: {  	_ =	shalt  }
0x84: {  	_ =	shalt  }
0x85: {  	_ =	shalt  }
0x86: {  	_ =	shalt  }
0x87: {  	_ =	shalt  }
.Lfunc_end0:
.L_simem_size_0:
called_computation_lowered:
.L_overlay_start_0:
0x88: {  	s2 =	sld [smem:$0x3FD9]  }
0x89: {  	s3 =	sld [smem:$0x3FFE];
	_ =	sdelay $0x1  }
0x8a: {  	s1 =	srdreg.scid  }
0x8b: {  	s0 =	sand.u32 $0x1, s1  }
0x8c: {  	s17 =	sshll.u32 s0, $0xA;
	s2 =	sadd.s32 s3, s2  }
0x8d: {  	s2 =	sadd.s32 s2, s17  }
0x8e: {  	[smem:$0x3FC2] =	sst s2  }
0x8f: {  	_ = 	snop  }
0x90: {  	s2 =	sld [smem:$0x3FC7];
	(tm) =	ssettm $0x1  }
0x91: {  	s18 =	sld [smem:$0x3FFB];
	_ =	sdelay $0x3  }
0x92: {  	_ =	strace s18  }
0x93: {  	s3 =	sld [smem:$0x3FFC];
	_ =	sdelay $0x3  }
0x94: {  	_ =	strace s3  }
0x95: {  	s3 =	sld [smem:$0x3FFD];
	_ =	sdelay $0x3  }
0x96: {  	_ =	strace s3  }
0x97: {  	_ =	strace $0x8FFFFFFF  }
0x98: {  	s19 =	sld [smem:$0x3FDB];
	_ =	sdelay $0x1  }
0x99: {  	s4 =	simm.s32 $_scs_section_size  }
0x9a: {  	s5 =	simm.s32 $_size__tile_overlayer_lowered;
	s6 =	simm.s32 $_tile_overlayer_lowered  }
0x9b: {  	s22 =	simm.s32 $0x1BFF;
	s21 =	sshll.u32 s6, $0x1;
	s3 =	sadd.s32 s4, s19  }
0x9c: {  	s7 =	simm.s32 $0x0;
	s20 =	sshll.u32 s5, $0x1;
	s5 =	sadd.s32 s21, s3  }
0x9d: {  	[timem:s7], [sflag:s22] =	dma.local [hbm:s5], s20  }
0x9e: {  	_ =	swait.ge [sflag:s22], s20  }
0x9f: {  	s4 =	ssub.s32 $0x0, s20;
	[sflag:s22] =	ssyncset.done $0x0  }
0xa0: {  	[sflag:s22] =	ssyncadd.s32 s4;
	_ =	sdelay $0x1  }
0xa1: {  	s23 =	simm.s32 $0x1B8B  }
0xa2: {  	_ =	swait.ge [sflag:s23], $0x1  }
0xa3: {  	[sflag:s23] =	ssyncset.done $0x0  }
0xa4: {  	s25 =	simm.s32 $0x1B8E;
	s24 =	sld [smem:$0x3FFE];
	[sflag:s23] =	ssyncadd.s32 $0xFFFFFFFF  }
0xa5: {  	s26 =	simm.s32 $execute0_lowered;
	[smem:$0x3FD2] =	sst s25  }
0xa6: {  	s5 =	sshll.u32 s26, $0x1;
	_ =	strace $0x80000046;
	[dreg:$0x1] =	wrdreg $0xFFFFFFFF  }
0xa7: {  	s28 =	simm.s32 $_size_execute0_lowered;
	s3 =	sadd.s32 s3, s5;
	[dreg:$0x0] =	wrdreg $0x0  }
0xa8: {  	s5 =	sshll.u32 s28, $0x1;
	[dreg:$0x2] =	wrdreg s3  }
0xa9: {  	[dreg:$0x3] =	wrdreg s5  }
0xaa: {  	[dreg:$0x4] =	wrdreg $0xC0  }
0xab: {  	_ =	task [dreg:s7], $0x5FFFF  }
0xac: {  	[dreg:$0x1] =	wrdreg $0xFFFFFFFF  }
0xad: {  	[dreg:$0x0] =	wrdreg $0x60  }
0xae: {  	[dreg:$0x2] =	wrdreg s2  }
0xaf: {  	[dreg:$0x3] =	wrdreg s24  }
0xb0: {  	[dreg:$0x4] =	wrdreg $0x143000  }
0xb1: {  	[dreg:$0x5] =	wrdreg $0x9  }
0xb2: {  	_ =	task.clear_ibuf [dreg:s7], $0x6FFFF;
	_ =	strace $0x90000046  }
0xb3: {  	s29 =	simm.s32 $0x9;
	_ =	strace $0x80000048  }
0xb4: {  	_ =	swait.ge [sflag:s29], $0x1  }
0xb5: {  	[sflag:s29] =	ssyncadd.s32 $0xFFFFFFFF  }
0xb6: {  	_ =	strace $0x90000048  }
0xb7: {  	_ =	sfence  }
0xb8: {  	s30 =	sld [smem:$0x0];
	_ =	sdelay $0x2  }
0xb9: {  	s31 =	sshll.u32 s1, $0xD;
	s1 =	sshrl.u32 s1, $0x2  }
0xba: {  	s3 =	sand.u32 $0x4000, s31;
	s1 =	sadd.s32 s1, s30  }
0xbb: {  	s0 =	sor.u32 s3, s0;
	s1 =	sshll.u32 s1, $0x11  }
0xbc: {  	s0 =	sor.u32 s1, s0  }
0xbd: {  	s0 =	sadd.s32 $0x8F2B, s0  }
0xbe: {  	[sflag:s0] =	ssyncadd.remote.s32 $0x1  }
0xbf: {  	_ =	sfence.sel $0xFFFF  }
0xc0: {  	[dreg:$0x0] =	wrdreg $0xFFFFFFFF;
	(pc) =	sbr.abs _section_cstart, $3  }
0xc1: {  	[dreg:$0x1] =	wrdreg $0xFFFFFFFF  }
0xc2: {  	_ =	task.clear_ibuf [dreg:s7], $0x2FFFF;
	_ =	strace $0x9FFFFFFF  }
0xc3: {  	(tm) =	ssettm $0x7FFFFFFF  }
tec
execute0_lowered:
.L_overlay_start_1:
0x0: {  	(tag) =	ssettag $0x1  }
0x1: {  	s1 =	rddreg [dreg:$0x0]  }
0x2: {  	s5 =	rddreg [dreg:$0x1]  }
0x3: {  	s3 =	rddreg [dreg:$0x2]  }
0x4: {  	s0 =	rddreg [dreg:$0x3];
	s6 =	srdreg.scid  }
0x5: {  	s4 =	simm.s32 $0x0;
	s2 =	stileid.u32;
	s13 =	simm.s32 $0x12000  }
0x6: {  	s14 =	simm.s32 $0x12200;
	s15 =	simm.s32 $0x2000;
	s16 =	simm.s32 $0x14200  }
0x7: {  	s17 =	simm.s32 $0x0;
	s9 =	sand.u32 $0x1, s6;
	s28 =	sshll.u32 s2, $0x6  }
0x8: {  	[smem:$0x7FF] =	sst s4;
	s30 =	sshll.u32 s2, $0xB;
	s7 =	sshll.u32 s9, $0x5  }
0x9: {  	s8 =	ssub.s32 $0x2, s9;
	_ =	strace $0x80000047;
	s12 =	sshll.u32 s9, $0xA  }
0xa: {  	s31 =	sshll.u32 s9, $0x8;
	s6 =	sor.u32 s7, s28;
	s29 =	sshrl.u32 s8, $0x1  }
0xb: {  	s12 =	sor.u32 s12, s30;
	s10 =	sadd.s32 s6, s5;
	s11 =	ssub.s32 s8, s29  }
0xc: {  	s5 =	sshll.u32 s2, $0x9;
	s6 =	sshrl.u32 s30, $0x2;
	s12 =	sor.u32 $0x80, s12  }
0xd: {  	s7 =	sadd.s32 s5, s3;
	s8 =	sadd.s32 $0xC00, s10;
	s9 =	smax.u32 s11, $0x1  }
0xe: {  	v0 =	vimm.s32 $0x0;
	v1 =	vlaneseq.u32;
	v2 =	vimm.f32 $0.0e+00;
	s10 =	sor.u32 s31, s5;
	s11 =	sshrl.u32 s12, $0x2;
	s12 =	simm.s32 $0x1  }
.LBB2_1:
0xf: {  	[tilespmem:s4], [sflag:$0x1] =	stream.linear.gather [hbm4b:s1+s4], $0x2000, $0x38;
	[tilespmem:$0x14500] =	vst v63  }
0x10: {  	_ =	swait.ge [sflag:s12], $0x2000  }
0x11: {  	[sflag:s12] =	ssyncset.done $0x0  }
0x12: {  	[sflag:s12] =	ssyncadd.s32 $0xFFFFE000  }
0x13: {  	v3 =	vld [tilespmem:s5+$0x0];
	_ =	sdelay $0x4  }
0x14: {  	(xrf1) =	vunique.msk.u32 $0xffff, v3;
	_ =	sdelay $0xd  }
0x15: {  	_, v3, vm0 =	vpop (xrf1)  }
0x16: {  	v3 =	vsel vm0, $0x1, v0  }
0x17: {  	[tilespmem:$0x12000] =	vst v3  }
0x18: {  	v3 =	vld [tilespmem:s6+$0x10];
	_ =	sdelay $0x4  }
0x19: {  	(xrf1) =	vunique.msk.u32 $0xffff, v3;
	_ =	sdelay $0xd  }
0x1a: {  	_, v3, vm9 =	vpop (xrf1)  }
0x1b: {  	v3 =	vsel vm9, $0x1, v0  }
0x1c: {  	[tilespmem:$0x12010] =	vst v3  }
0x1d: {  	v3 =	vld [tilespmem:s6+$0x20];
	_ =	sdelay $0x4  }
0x1e: {  	(xrf1) =	vunique.msk.u32 $0xffff, v3;
	_ =	sdelay $0xd  }
0x1f: {  	_, v3, vm10 =	vpop (xrf1)  }
0x20: {  	v3 =	vsel vm10, $0x1, v0  }
0x21: {  	[tilespmem:$0x12020] =	vst v3  }
0x22: {  	v3 =	vld [tilespmem:s6+$0x30];
	_ =	sdelay $0x4  }
0x23: {  	(xrf1) =	vunique.msk.u32 $0xffff, v3;
	_ =	sdelay $0xd  }
0x24: {  	_, v3, vm11 =	vpop (xrf1)  }
0x25: {  	v3 =	vsel vm11, $0x1, v0  }
0x26: {  	[tilespmem:$0x12030] =	vst v3  }
0x27: {  	v3 =	vld [tilespmem:s6+$0x40];
	_ =	sdelay $0x4  }
0x28: {  	(xrf1) =	vunique.msk.u32 $0xffff, v3;
	_ =	sdelay $0xd  }
0x29: {  	_, v3, vm12 =	vpop (xrf1)  }
0x2a: {  	v3 =	vsel vm12, $0x1, v0  }
0x2b: {  	[tilespmem:$0x12040] =	vst v3  }
0x2c: {  	v3 =	vld [tilespmem:s6+$0x50];
	_ =	sdelay $0x4  }
0x2d: {  	(xrf1) =	vunique.msk.u32 $0xffff, v3;
	_ =	sdelay $0xd  }
0x2e: {  	_, v3, vm13 =	vpop (xrf1)  }
0x2f: {  	v3 =	vsel vm13, $0x1, v0  }
0x30: {  	[tilespmem:$0x12050] =	vst v3  }
0x31: {  	v3 =	vld [tilespmem:s6+$0x60];
	_ =	sdelay $0x4  }
0x32: {  	(xrf1) =	vunique.msk.u32 $0xffff, v3;
	_ =	sdelay $0xd  }
0x33: {  	_, v3, vm14 =	vpop (xrf1)  }
0x34: {  	v3 =	vsel vm14, $0x1, v0  }
0x35: {  	[tilespmem:$0x12060] =	vst v3  }
0x36: {  	v3 =	vld [tilespmem:s6+$0x70];
	_ =	sdelay $0x4  }
0x37: {  	(xrf1) =	vunique.msk.u32 $0xffff, v3;
	_ =	sdelay $0xd  }
0x38: {  	_, v3, vm15 =	vpop (xrf1)  }
0x39: {  	v3 =	vsel vm15, $0x1, v0  }
0x3a: {  	[tilespmem:$0x12070] =	vst v3  }
0x3b: {  	v3 =	vld [tilespmem:s6+$0x80];
	_ =	sdelay $0x4  }
0x3c: {  	(xrf1) =	vunique.msk.u32 $0xffff, v3;
	_ =	sdelay $0xd  }
0x3d: {  	_, v3, vm4 =	vpop (xrf1)  }
0x3e: {  	v3 =	vsel vm4, $0x1, v0  }
0x3f: {  	[tilespmem:$0x12080] =	vst v3  }
0x40: {  	v3 =	vld [tilespmem:s6+$0x90];
	_ =	sdelay $0x4  }
0x41: {  	(xrf1) =	vunique.msk.u32 $0xffff, v3;
	_ =	sdelay $0xd  }
0x42: {  	_, v3, vm5 =	vpop (xrf1)  }
0x43: {  	v3 =	vsel vm5, $0x1, v0  }
0x44: {  	[tilespmem:$0x12090] =	vst v3  }
0x45: {  	v3 =	vld [tilespmem:s6+$0xA0];
	_ =	sdelay $0x4  }
0x46: {  	(xrf1) =	vunique.msk.u32 $0xffff, v3;
	_ =	sdelay $0xd  }
0x47: {  	_, v3, vm6 =	vpop (xrf1)  }
0x48: {  	v3 =	vsel vm6, $0x1, v0  }
0x49: {  	[tilespmem:$0x120A0] =	vst v3  }
0x4a: {  	v3 =	vld [tilespmem:s6+$0xB0];
	_ =	sdelay $0x4  }
0x4b: {  	(xrf1) =	vunique.msk.u32 $0xffff, v3;
	_ =	sdelay $0xd  }
0x4c: {  	_, v3, vm7 =	vpop (xrf1)  }
0x4d: {  	v3 =	vsel vm7, $0x1, v0  }
0x4e: {  	[tilespmem:$0x120B0] =	vst v3  }
0x4f: {  	v3 =	vld [tilespmem:s6+$0xC0];
	_ =	sdelay $0x4  }
0x50: {  	(xrf1) =	vunique.msk.u32 $0xffff, v3;
	_ =	sdelay $0xd  }
0x51: {  	_, v3, vm8 =	vpop (xrf1)  }
0x52: {  	v3 =	vsel vm8, $0x1, v0  }
0x53: {  	[tilespmem:$0x120C0] =	vst v3  }
0x54: {  	v3 =	vld [tilespmem:s6+$0xD0];
	_ =	sdelay $0x4  }
0x55: {  	(xrf1) =	vunique.msk.u32 $0xffff, v3;
	_ =	sdelay $0xd  }
0x56: {  	_, v3, vm9 =	vpop (xrf1)  }
0x57: {  	v3 =	vsel vm9, $0x1, v0  }
0x58: {  	[tilespmem:$0x120D0] =	vst v3  }
0x59: {  	v3 =	vld [tilespmem:s6+$0xE0];
	_ =	sdelay $0x4  }
0x5a: {  	(xrf1) =	vunique.msk.u32 $0xffff, v3;
	_ =	sdelay $0xd  }
0x5b: {  	_, v3, vm10 =	vpop (xrf1)  }
0x5c: {  	v3 =	vsel vm10, $0x1, v0  }
0x5d: {  	[tilespmem:$0x120E0] =	vst v3  }
0x5e: {  	v3 =	vld [tilespmem:s6+$0xF0];
	_ =	sdelay $0x4  }
0x5f: {  	(xrf1) =	vunique.msk.u32 $0xffff, v3;
	_ =	sdelay $0xd  }
0x60: {  	_, v3, vm11 =	vpop (xrf1)  }
0x61: {  	v3 =	vsel vm11, $0x1, v0  }
0x62: {  	[tilespmem:$0x120F0] =	vst v3  }
0x63: {  	v3 =	vld [tilespmem:s6+$0x100];
	_ =	sdelay $0x4  }
0x64: {  	(xrf1) =	vunique.msk.u32 $0xffff, v3;
	_ =	sdelay $0xd  }
0x65: {  	_, v3, vm12 =	vpop (xrf1)  }
0x66: {  	v3 =	vsel vm12, $0x1, v0  }
0x67: {  	[tilespmem:$0x12100] =	vst v3  }
0x68: {  	v3 =	vld [tilespmem:s6+$0x110];
	_ =	sdelay $0x4  }
0x69: {  	(xrf1) =	vunique.msk.u32 $0xffff, v3;
	_ =	sdelay $0xd  }
0x6a: {  	_, v3, vm13 =	vpop (xrf1)  }
0x6b: {  	v3 =	vsel vm13, $0x1, v0  }
0x6c: {  	[tilespmem:$0x12110] =	vst v3  }
0x6d: {  	v3 =	vld [tilespmem:s6+$0x120];
	_ =	sdelay $0x4  }
0x6e: {  	(xrf1) =	vunique.msk.u32 $0xffff, v3;
	_ =	sdelay $0xd  }
0x6f: {  	_, v3, vm14 =	vpop (xrf1)  }
0x70: {  	v3 =	vsel vm14, $0x1, v0  }
0x71: {  	[tilespmem:$0x12120] =	vst v3  }
0x72: {  	v3 =	vld [tilespmem:s6+$0x130];
	_ =	sdelay $0x4  }
0x73: {  	(xrf1) =	vunique.msk.u32 $0xffff, v3;
	_ =	sdelay $0xd  }
0x74: {  	_, v3, vm15 =	vpop (xrf1)  }
0x75: {  	v3 =	vsel vm15, $0x1, v0  }
0x76: {  	[tilespmem:$0x12130] =	vst v3  }
0x77: {  	v3 =	vld [tilespmem:s6+$0x140];
	_ =	sdelay $0x4  }
0x78: {  	(xrf1) =	vunique.msk.u32 $0xffff, v3;
	_ =	sdelay $0xd  }
0x79: {  	_, v3, vm4 =	vpop (xrf1)  }
0x7a: {  	v3 =	vsel vm4, $0x1, v0  }
0x7b: {  	[tilespmem:$0x12140] =	vst v3  }
0x7c: {  	v3 =	vld [tilespmem:s6+$0x150];
	_ =	sdelay $0x4  }
0x7d: {  	(xrf1) =	vunique.msk.u32 $0xffff, v3;
	_ =	sdelay $0xd  }
0x7e: {  	_, v3, vm5 =	vpop (xrf1)  }
0x7f: {  	v3 =	vsel vm5, $0x1, v0  }
0x80: {  	[tilespmem:$0x12150] =	vst v3  }
0x81: {  	v3 =	vld [tilespmem:s6+$0x160];
	_ =	sdelay $0x4  }
0x82: {  	(xrf1) =	vunique.msk.u32 $0xffff, v3;
	_ =	sdelay $0xd  }
0x83: {  	_, v3, vm6 =	vpop (xrf1)  }
0x84: {  	v3 =	vsel vm6, $0x1, v0  }
0x85: {  	[tilespmem:$0x12160] =	vst v3  }
0x86: {  	v3 =	vld [tilespmem:s6+$0x170];
	_ =	sdelay $0x4  }
0x87: {  	(xrf1) =	vunique.msk.u32 $0xffff, v3;
	_ =	sdelay $0xd  }
0x88: {  	_, v3, vm7 =	vpop (xrf1)  }
0x89: {  	v3 =	vsel vm7, $0x1, v0  }
0x8a: {  	[tilespmem:$0x12170] =	vst v3  }
0x8b: {  	v3 =	vld [tilespmem:s6+$0x180];
	_ =	sdelay $0x4  }
0x8c: {  	(xrf1) =	vunique.msk.u32 $0xffff, v3;
	_ =	sdelay $0xd  }
0x8d: {  	_, v3, vm8 =	vpop (xrf1)  }
0x8e: {  	v3 =	vsel vm8, $0x1, v0  }
0x8f: {  	[tilespmem:$0x12180] =	vst v3  }
0x90: {  	v3 =	vld [tilespmem:s6+$0x190];
	_ =	sdelay $0x4  }
0x91: {  	(xrf1) =	vunique.msk.u32 $0xffff, v3;
	_ =	sdelay $0xd  }
0x92: {  	_, v3, vm9 =	vpop (xrf1)  }
0x93: {  	v3 =	vsel vm9, $0x1, v0  }
0x94: {  	[tilespmem:$0x12190] =	vst v3  }
0x95: {  	v3 =	vld [tilespmem:s6+$0x1A0];
	_ =	sdelay $0x4  }
0x96: {  	(xrf1) =	vunique.msk.u32 $0xffff, v3;
	_ =	sdelay $0xd  }
0x97: {  	_, v3, vm10 =	vpop (xrf1)  }
0x98: {  	v3 =	vsel vm10, $0x1, v0  }
0x99: {  	[tilespmem:$0x121A0] =	vst v3  }
0x9a: {  	v3 =	vld [tilespmem:s6+$0x1B0];
	_ =	sdelay $0x4  }
0x9b: {  	(xrf1) =	vunique.msk.u32 $0xffff, v3;
	_ =	sdelay $0xd  }
0x9c: {  	_, v3, vm11 =	vpop (xrf1)  }
0x9d: {  	v3 =	vsel vm11, $0x1, v0  }
0x9e: {  	[tilespmem:$0x121B0] =	vst v3  }
0x9f: {  	v3 =	vld [tilespmem:s6+$0x1C0];
	_ =	sdelay $0x4  }
0xa0: {  	(xrf1) =	vunique.msk.u32 $0xffff, v3;
	_ =	sdelay $0xd  }
0xa1: {  	_, v3, vm12 =	vpop (xrf1)  }
0xa2: {  	v3 =	vsel vm12, $0x1, v0  }
0xa3: {  	[tilespmem:$0x121C0] =	vst v3  }
0xa4: {  	v3 =	vld [tilespmem:s6+$0x1D0];
	_ =	sdelay $0x4  }
0xa5: {  	(xrf1) =	vunique.msk.u32 $0xffff, v3;
	_ =	sdelay $0xd  }
0xa6: {  	_, v3, vm13 =	vpop (xrf1)  }
0xa7: {  	v3 =	vsel vm13, $0x1, v0  }
0xa8: {  	[tilespmem:$0x121D0] =	vst v3  }
0xa9: {  	v3 =	vld [tilespmem:s6+$0x1E0];
	_ =	sdelay $0x4  }
0xaa: {  	(xrf1) =	vunique.msk.u32 $0xffff, v3;
	_ =	sdelay $0xd  }
0xab: {  	_, v3, vm14 =	vpop (xrf1)  }
0xac: {  	v3 =	vsel vm14, $0x1, v0  }
0xad: {  	[tilespmem:$0x121E0] =	vst v3  }
0xae: {  	v3 =	vld [tilespmem:s6+$0x1F0];
	_ =	sdelay $0x4  }
0xaf: {  	(xrf1) =	vunique.msk.u32 $0xffff, v3;
	_ =	sdelay $0xd  }
0xb0: {  	_, v3, vm15 =	vpop (xrf1)  }
0xb1: {  	v3 =	vsel vm15, $0x1, v0  }
0xb2: {  	[tilespmem:$0x121F0] =	vst v3  }
0xb3: {  	[spmem:s7] =	stream.linear.scatter [tilespmem:s13], [sflag:$0x1], $0x200, $0x38;
	[tilespmem:$0x14500] =	vst v63  }
0xb4: {  	_ =	swait.ge [sflag:s12], $0x200  }
0xb5: {  	[sflag:s12] =	ssyncset.done $0x0  }
0xb6: {  	[sflag:s12] =	ssyncadd.s32 $0xFFFFFE00  }
0xb7: {  	[bflag:$0x0] =	sbarrier.arrive $0xFFFF  }
0xb8: {  	[tilespmem:s14], [sflag:$0x1] =	stream.linear.gather [spmem:s3], $0x2000, $0x38;
	[tilespmem:$0x14500] =	vst v63  }
0xb9: {  	_ =	swait.ge [sflag:s12], $0x2000  }
0xba: {  	s18 =	simm.s32 $0xF0;
	[sflag:s12] =	ssyncset.done $0x0  }
0xbb: {  	s19 =	simm.s32 $0x12280;
	s20 =	simm.s32 $0x80;
	[sflag:s12] =	ssyncadd.s32 $0xFFFFE000  }
.LBB2_2:
0xbc: {  	v3 =	vld [tilespmem:s19+$0xFFFFFF80];
	_ =	sdelay $0x2  }
0xbd: {  	v4 =	vld [tilespmem:s20+$0xFFFFFF80];
	_ =	sdelay $0x1  }
0xbe: {  	vm0 =	vne.s32 v3, $0x0;
	_ =	sdelay $0x3  }
0xbf: {  	s21 =	sadd.s32 $0xFFFFFF10, s18  }
0xc0: {  	v3 =	vor.u32 s21, v1  }
0xc1: {  	[tilespmem:v4+s15+$0x0] =	vst.idx.msk vm0, v3  }
0xc2: {  	v3 =	vld [tilespmem:s19+$0xFFFFFF90];
	_ =	sdelay $0x2  }
0xc3: {  	v4 =	vld [tilespmem:s20+$0xFFFFFF90];
	_ =	sdelay $0x1  }
0xc4: {  	vm13 =	vne.s32 v3, $0x0;
	_ =	sdelay $0x3  }
0xc5: {  	s26 =	sadd.s32 $0xFFFFFF20, s18  }
0xc6: {  	v3 =	vor.u32 s26, v1  }
0xc7: {  	[tilespmem:v4+s15+$0x0] =	vst.idx.msk vm13, v3  }
0xc8: {  	v3 =	vld [tilespmem:s19+$0xFFFFFFA0];
	_ =	sdelay $0x2  }
0xc9: {  	v4 =	vld [tilespmem:s20+$0xFFFFFFA0];
	_ =	sdelay $0x1  }
0xca: {  	vm14 =	vne.s32 v3, $0x0;
	_ =	sdelay $0x3  }
0xcb: {  	s28 =	sadd.s32 $0xFFFFFF30, s18  }
0xcc: {  	v3 =	vor.u32 s28, v1  }
0xcd: {  	[tilespmem:v4+s15+$0x0] =	vst.idx.msk vm14, v3  }
0xce: {  	v3 =	vld [tilespmem:s19+$0xFFFFFFB0];
	_ =	sdelay $0x2  }
0xcf: {  	v4 =	vld [tilespmem:s20+$0xFFFFFFB0];
	_ =	sdelay $0x1  }
0xd0: {  	vm15 =	vne.s32 v3, $0x0;
	_ =	sdelay $0x3  }
0xd1: {  	s29 =	sadd.s32 $0xFFFFFF40, s18  }
0xd2: {  	v3 =	vor.u32 s29, v1  }
0xd3: {  	[tilespmem:v4+s15+$0x0] =	vst.idx.msk vm15, v3  }
0xd4: {  	v3 =	vld [tilespmem:s19+$0xFFFFFFC0];
	_ =	sdelay $0x2  }
0xd5: {  	v4 =	vld [tilespmem:s20+$0xFFFFFFC0];
	_ =	sdelay $0x1  }
0xd6: {  	vm4 =	vne.s32 v3, $0x0;
	_ =	sdelay $0x3  }
0xd7: {  	s30 =	sadd.s32 $0xFFFFFF50, s18  }
0xd8: {  	v3 =	vor.u32 s30, v1  }
0xd9: {  	[tilespmem:v4+s15+$0x0] =	vst.idx.msk vm4, v3  }
0xda: {  	v3 =	vld [tilespmem:s19+$0xFFFFFFD0];
	_ =	sdelay $0x2  }
0xdb: {  	v4 =	vld [tilespmem:s20+$0xFFFFFFD0];
	_ =	sdelay $0x1  }
0xdc: {  	vm5 =	vne.s32 v3, $0x0;
	_ =	sdelay $0x3  }
0xdd: {  	s31 =	sadd.s32 $0xFFFFFF60, s18  }
0xde: {  	v3 =	vor.u32 s31, v1  }
0xdf: {  	[tilespmem:v4+s15+$0x0] =	vst.idx.msk vm5, v3  }
0xe0: {  	v3 =	vld [tilespmem:s19+$0xFFFFFFE0];
	_ =	sdelay $0x2  }
0xe1: {  	v4 =	vld [tilespmem:s20+$0xFFFFFFE0];
	_ =	sdelay $0x1  }
0xe2: {  	vm6 =	vne.s32 v3, $0x0;
	_ =	sdelay $0x3  }
0xe3: {  	s22 =	sadd.s32 $0xFFFFFF70, s18  }
0xe4: {  	v3 =	vor.u32 s22, v1  }
0xe5: {  	[tilespmem:v4+s15+$0x0] =	vst.idx.msk vm6, v3  }
0xe6: {  	v3 =	vld [tilespmem:s19+$0xFFFFFFF0];
	_ =	sdelay $0x2  }
0xe7: {  	v4 =	vld [tilespmem:s20+$0xFFFFFFF0];
	_ =	sdelay $0x1  }
0xe8: {  	vm7 =	vne.s32 v3, $0x0;
	_ =	sdelay $0x3  }
0xe9: {  	s23 =	sadd.s32 $0xFFFFFF80, s18  }
0xea: {  	v3 =	vor.u32 s23, v1  }
0xeb: {  	[tilespmem:v4+s15+$0x0] =	vst.idx.msk vm7, v3  }
0xec: {  	v3 =	vld [tilespmem:s19+$0x0];
	_ =	sdelay $0x2  }
0xed: {  	v4 =	vld [tilespmem:s20+$0x0];
	_ =	sdelay $0x1  }
0xee: {  	vm8 =	vne.s32 v3, $0x0;
	_ =	sdelay $0x3  }
0xef: {  	s24 =	sadd.s32 $0xFFFFFF90, s18  }
0xf0: {  	v3 =	vor.u32 s24, v1  }
0xf1: {  	[tilespmem:v4+s15+$0x0] =	vst.idx.msk vm8, v3  }
0xf2: {  	v3 =	vld [tilespmem:s19+$0x10];
	_ =	sdelay $0x2  }
0xf3: {  	v4 =	vld [tilespmem:s20+$0x10];
	_ =	sdelay $0x1  }
0xf4: {  	vm9 =	vne.s32 v3, $0x0;
	_ =	sdelay $0x3  }
0xf5: {  	s25 =	sadd.s32 $0xFFFFFFA0, s18  }
0xf6: {  	v3 =	vor.u32 s25, v1  }
0xf7: {  	[tilespmem:v4+s15+$0x0] =	vst.idx.msk vm9, v3  }
0xf8: {  	v3 =	vld [tilespmem:s19+$0x20];
	_ =	sdelay $0x2  }
0xf9: {  	v4 =	vld [tilespmem:s20+$0x20];
	_ =	sdelay $0x1  }
0xfa: {  	vm10 =	vne.s32 v3, $0x0;
	_ =	sdelay $0x3  }
0xfb: {  	s26 =	sadd.s32 $0xFFFFFFB0, s18  }
0xfc: {  	v3 =	vor.u32 s26, v1  }
0xfd: {  	[tilespmem:v4+s15+$0x0] =	vst.idx.msk vm10, v3  }
0xfe: {  	v3 =	vld [tilespmem:s19+$0x30];
	_ =	sdelay $0x2  }
0xff: {  	v4 =	vld [tilespmem:s20+$0x30];
	_ =	sdelay $0x1  }
0x100: {  	vm11 =	vne.s32 v3, $0x0;
	_ =	sdelay $0x3  }
0x101: {  	s28 =	sadd.s32 $0xFFFFFFC0, s18  }
0x102: {  	v3 =	vor.u32 s28, v1  }
0x103: {  	[tilespmem:v4+s15+$0x0] =	vst.idx.msk vm11, v3  }
0x104: {  	v3 =	vld [tilespmem:s19+$0x40];
	_ =	sdelay $0x2  }
0x105: {  	v4 =	vld [tilespmem:s20+$0x40];
	_ =	sdelay $0x1  }
0x106: {  	vm12 =	vne.s32 v3, $0x0;
	_ =	sdelay $0x3  }
0x107: {  	s29 =	sadd.s32 $0xFFFFFFD0, s18  }
0x108: {  	v3 =	vor.u32 s29, v1  }
0x109: {  	[tilespmem:v4+s15+$0x0] =	vst.idx.msk vm12, v3  }
0x10a: {  	v3 =	vld [tilespmem:s19+$0x50];
	_ =	sdelay $0x2  }
0x10b: {  	v4 =	vld [tilespmem:s20+$0x50];
	_ =	sdelay $0x1  }
0x10c: {  	vm13 =	vne.s32 v3, $0x0;
	_ =	sdelay $0x3  }
0x10d: {  	s30 =	sadd.s32 $0xFFFFFFE0, s18  }
0x10e: {  	v3 =	vor.u32 s30, v1  }
0x10f: {  	[tilespmem:v4+s15+$0x0] =	vst.idx.msk vm13, v3  }
0x110: {  	v3 =	vld [tilespmem:s19+$0x60];
	_ =	sdelay $0x2  }
0x111: {  	v4 =	vld [tilespmem:s20+$0x60];
	_ =	sdelay $0x1  }
0x112: {  	vm14 =	vne.s32 v3, $0x0;
	_ =	sdelay $0x3  }
0x113: {  	s31 =	sadd.s32 $0xFFFFFFF0, s18  }
0x114: {  	v3 =	vor.u32 s31, v1  }
0x115: {  	[tilespmem:v4+s15+$0x0] =	vst.idx.msk vm14, v3  }
0x116: {  	v3 =	vld [tilespmem:s19+$0x70];
	_ =	sdelay $0x2  }
0x117: {  	v4 =	vld [tilespmem:s20+$0x70];
	_ =	sdelay $0x1  }
0x118: {  	vm15 =	vne.s32 v3, $0x0  }
0x119: {  	p0 =	sne.s32 s18, $0x1FF0  }
.Ltmp0:
0x11a: {  	_ = 	snop;
	(pc) =	sbr.rel @p0 .LBB2_2-.Ltmp0, $3  }
0x11b: {  	_ =	sdelay $0x1  }
0x11c: {  	v3 =	vor.u32 s18, v1  }
0x11d: {  	s19 =	sadd.s32 $0x100, s19;
	s20 =	sadd.s32 $0x100, s20;
	s18 =	sadd.s32 $0x100, s18;
	[tilespmem:v4+s15+$0x0] =	vst.idx.msk vm15, v3  }
0x11e: {  	s18 =	simm.s32 $0x0;
	s19 =	simm.s32 $0x14220;
	s20 =	smov.u32 s11  }
.LBB2_4:
0x11f: {  	v3 =	vld [tilespmem:s20+$0xFFFFFFE0];
	_ =	sdelay $0x7  }
0x120: {  	v3 =	vld.idx.msk [tilespmem:v3+s15+$0x0], $0xffff;
	_ =	sdelay $0x2  }
0x121: {  	s21 =	sadd.s32 s18, s10  }
0x122: {  	v4 =	vor.u32 s21, v1  }
0x123: {  	vm0 =	veq.s32 v3, v4  }
0x124: {  	v3 =	vsel vm0, $0x3F800000, v2  }
0x125: {  	[tilespmem:s19+$0xFFFFFFE0] =	vst v3  }
0x126: {  	v3 =	vld [tilespmem:s20+$0xFFFFFFF0];
	_ =	sdelay $0x7  }
0x127: {  	v3 =	vld.idx.msk [tilespmem:v3+s15+$0x0], $0xffff;
	_ =	sdelay $0x2  }
0x128: {  	s22 =	sadd.s32 $0x10, s21  }
0x129: {  	v61 =	vor.u32 s22, v1  }
0x12a: {  	vm13 =	veq.s32 v3, v61  }
0x12b: {  	v3 =	vsel vm13, $0x3F800000, v2  }
0x12c: {  	[tilespmem:s19+$0xFFFFFFF0] =	vst v3  }
0x12d: {  	v3 =	vld [tilespmem:s20+$0x0];
	_ =	sdelay $0x7  }
0x12e: {  	v3 =	vld.idx.msk [tilespmem:v3+s15+$0x0], $0xffff;
	_ =	sdelay $0x2  }
0x12f: {  	s31 =	sadd.s32 $0x20, s21  }
0x130: {  	v62 =	vor.u32 s31, v1  }
0x131: {  	vm14 =	veq.s32 v3, v62  }
0x132: {  	v3 =	vsel vm14, $0x3F800000, v2  }
0x133: {  	[tilespmem:s19+$0x0] =	vst v3  }
0x134: {  	v3 =	vld [tilespmem:s20+$0x10];
	_ =	sdelay $0x7  }
0x135: {  	v3 =	vld.idx.msk [tilespmem:v3+s15+$0x0], $0xffff;
	_ =	sdelay $0x1  }
0x136: {  	p0 =	sne.s32 s18, $0xC0  }
.Ltmp1:
0x137: {  	s21 =	sadd.s32 $0x30, s21;
	(pc) =	sbr.rel @p0 .LBB2_4-.Ltmp1, $4  }
0x138: {  	v63 =	vor.u32 s21, v1  }
0x139: {  	vm15 =	veq.s32 v3, v63  }
0x13a: {  	v3 =	vsel vm15, $0x3F800000, v2  }
0x13b: {  	s18 =	sadd.s32 $0x40, s18;
	s20 =	sadd.s32 $0x40, s20;
	[tilespmem:s19+$0x10] =	vst v3;
	s19 =	sadd.s32 $0x40, s19  }
0x13c: {  	s17 =	sadd.s32 $0x1, s17  }
0x13d: {  	p0 =	sne.s32 s17, s9  }
.Ltmp2:
0x13e: {  	_ = 	snop;
	(pc) =	sbr.rel @p0 .LBB2_1-.Ltmp2, $4  }
0x13f: {  	[hbm4b:s8+s4] =	stream.linear.scatter [tilespmem:s16], [sflag:$0x1], $0x100, $0x38;
	[tilespmem:$0x14500] =	vst v63  }
0x140: {  	_ =	swait.ge [sflag:s12], $0x100  }
0x141: {  	[sflag:s12] =	ssyncset.done $0x0  }
0x142: {  	[sflag:s12] =	ssyncadd.s32 $0xFFFFFF00  }
0x143: {  	_ =	sfence.sel $0x180000  }
0x144: {  	[bflag:$0x0] =	sbarrier.arrive $0xFFFF  }
0x145: {  	p0 =	sne.s32 s2, $0x0;
	_ =	strace $0x90000047  }
0x146: {  	s0 =	sadd.s32 @!p0 $0x100000, s0;
	[bflag:$0x2] =	sbarrier.arrive $0xFFFF  }
0x147: {  	[sflag:s0] =	ssyncadd.tile.s32 @!p0 $0x1;
	_ =	shalt  }
.Lfunc_end2:
_tile_overlayer_lowered:
.L_overlay_start_2:
0x148: {  	(tag) =	ssettag $0x2  }
0x149: {  	s0 =	rddreg [dreg:$0x0];
	s2 =	stileid.u32  }
0x14a: {  	s1 =	rddreg [dreg:$0x1];
	p0 =	sne.s32 s2, $0x0  }
0x14b: {  	s3 =	rddreg [dreg:$0x2];
	[bflag:$0x3] =	sbarrier.arrive $0xFFFF;
	s2 =	simm.s32 @!p0 $0x1C01  }
0x14c: {  	[timem:s3], [sflag:s2] =	dma.local @!p0 [hbm:s0], s1  }
0x14d: {  	s0 =	simm.s32 @!p0 $0x1  }
0x14e: {  	_ =	swait.ge @!p0 [sflag:s0], s1  }
0x14f: {  	s1 =	ssub.s32 @!p0 $0x0, s1;
	[sflag:s0] =	ssyncset.done @!p0 $0x0  }
0x150: {  	[sflag:s0] =	ssyncadd.s32 @!p0 s1  }
0x151: {  	[bflag:$0x3] =	sbarrier.arrive $0xFFFF  }
0x152: {  	_ =	shalt  }

</sc_bundles>
